<compile_context>
chip_gen: v7x
topology: tpu7x:2x2x1
jax: 0.10.2.dev20260603
libtpu: 0.0.44.dev20260713+nightly
codegen_flags: <defaults>
</compile_context>

<pallas_src>
import functools

import jax
import jax.numpy as jnp
from jax import lax
from jax.experimental import pallas as pl
from jax.experimental.pallas import tpu as pltpu
from jax.experimental.pallas import tpu_sc as plsc

T, B, D = 50, 16384, 16
NE = 8192
NC, NS, L = 2, 16, 16
NW = NC * NS
NU = T * D // NW
CHUNK = B // NW
EB = 512
BT, BL = B // 128, 128

_mesh = plsc.VectorSubcoreMesh(core_axis_name="c", subcore_axis_name="s")


@functools.partial(
    pl.kernel,
    out_type=(
        jax.ShapeDtypeStruct((B,), jnp.float32),
        jax.ShapeDtypeStruct((T * 2, BT, 8, BL), jnp.float32),
    ),
    mesh=_mesh,
    compiler_params=pltpu.CompilerParams(
        needs_layout_passes=False, use_tc_tiling_on_sc=False
    ),
    scratch_types=[
        pltpu.VMEM((B,), jnp.int32),
        pltpu.VMEM((EB,), jnp.int32),
        pltpu.VMEM((B,), jnp.int32),
        pltpu.VMEM((2, 2, BT, BL), jnp.float32),
        pltpu.VMEM((BT, BL), jnp.float32),
        pltpu.VMEM((CHUNK,), jnp.float32),
        pltpu.SemaphoreType.DMA,
        pltpu.SemaphoreType.DMA,
        pltpu.SemaphoreType.DMA,
    ],
)
def _exchange_resample(
    ll_hbm, oll_hbm, means_hbm, omeans_hbm, exch_hbm, rs_hbm,
    outll_hbm, outms_hbm,
    mask_v, exch_v, comb_v, slab_v, out_v, outll_v,
    gsem0, gsem1, ssem,
):
    wid = lax.axis_index("s") * NC + lax.axis_index("c")

    pltpu.sync_copy(rs_hbm, comb_v)

    zeros16 = jnp.zeros((L,), jnp.int32)
    ones16 = jnp.ones((L,), jnp.int32)

    def _zero_mask(i):
        mask_v[pl.ds(i, L)] = zeros16

    plsc.parallel_loop(0, B, L, unroll=4)(_zero_mask)

    def _mark_chunk(e, _):
        pltpu.sync_copy(exch_hbm.at[pl.ds(e * EB, EB)], exch_v)

        def _mark(i):
            idx = exch_v[pl.ds(i, L)]
            plsc.store_scatter(mask_v, [idx], ones16)

        plsc.parallel_loop(0, EB, L, unroll=4)(_mark)
        return 0

    lax.fori_loop(0, NE // EB, _mark_chunk, 0)

    def _comb(g):
        src = comb_v[pl.ds(g, L)]
        sel = plsc.load_gather(mask_v, [src])
        comb_v[pl.ds(g, L)] = src + sel * B

    plsc.parallel_loop(0, B, L, unroll=4)(_comb)

    def _split(comb):
        return [comb >> 14, (comb >> 7) & 127, comb & 127]

    llbuf = slab_v.at[0]
    pltpu.sync_copy(ll_hbm, llbuf.at[0])
    pltpu.sync_copy(oll_hbm, llbuf.at[1])
    lbase = wid * CHUNK

    def _ll(j):
        comb = comb_v[pl.ds(lbase + j, L)]
        outll_v[pl.ds(j, L)] = plsc.load_gather(llbuf, _split(comb))

    plsc.parallel_loop(0, CHUNK, L, unroll=4)(_ll)
    pltpu.sync_copy(outll_v, outll_hbm.at[pl.ds(lbase, CHUNK)])

    def _views(u):
        t = u // D
        d = u % D
        g = t * 2 + d // 8
        dl = d % 8
        return g, dl

    def _in_copy(u, slot):
        g, dl = _views(u)
        sem = gsem0 if slot == 0 else gsem1
        ca = pltpu.make_async_copy(
            means_hbm.at[g, :, dl, :], slab_v.at[slot, 0], sem
        )
        cb = pltpu.make_async_copy(
            omeans_hbm.at[g, :, dl, :], slab_v.at[slot, 1], sem
        )
        return ca, cb

    def _out_copy(u):
        g, dl = _views(u)
        return pltpu.make_async_copy(out_v, outms_hbm.at[g, :, dl, :], ssem)

    ca, cb = _in_copy(wid, 0)
    ca.start()
    cb.start()

    def _unit(k, _):
        u = wid + k * NW
        slot = lax.rem(k, 2)
        for s in (0, 1):
            @pl.when(slot == s)
            def _():
                @pl.when(k + 1 < NU)
                def _():
                    na, nb = _in_copy(u + NW, 1 - s)
                    na.start()
                    nb.start()
                wa, wb = _in_copy(u, s)
                wa.wait()
                wb.wait()
                @pl.when(k >= 1)
                def _():
                    _out_copy(u - NW).wait()
                buf = slab_v.at[s]

                def _g(j):
                    comb = comb_v[pl.ds(j, L)]
                    out_v[j >> 7, pl.ds(j & 127, L)] = plsc.load_gather(
                        buf, _split(comb)
                    )

                plsc.parallel_loop(0, B, L, unroll=8)(_g)
                _out_copy(u).start()
        return 0

    lax.fori_loop(0, NU, _unit, 0)
    _out_copy(wid + (NU - 1) * NW).wait()


@jax.jit
def kernel(loglik, means, other_loglik, other_means, exch_inds, resample_inds):
    def to4d(x):
        return (
            x.transpose(0, 2, 1)
            .reshape(T, 2, 8, BT, BL)
            .transpose(0, 1, 3, 2, 4)
            .reshape(T * 2, BT, 8, BL)
        )

    out_ll, out_ms = _exchange_resample(
        loglik.reshape(BT, BL),
        other_loglik.reshape(BT, BL),
        to4d(means),
        to4d(other_means),
        exch_inds,
        resample_inds,
    )
    ms = (
        out_ms.reshape(T, 2, BT, 8, BL)
        .transpose(0, 1, 3, 2, 4)
        .reshape(T, D, B)
        .transpose(0, 2, 1)
    )
    return out_ll, ms

# --- scband reference (transcript-rebuilt; emitter-appended) ---
"""Pipeline reference for scband-filter-result-10505490006412 (READ-ONLY COPY).

The authoritative reference and input builder live on the scoring server;
editing this copy changes nothing except your own understanding.
"""

import jax, jax.numpy as jnp
import numpy as np

T, B, D = 50, 16384, 16
N_EXCH = 8192


def setup_inputs(seed: int = 0) -> dict:
    key = jax.random.key(seed)
    ks = jax.random.split(key, 6)
    return {
        "loglik": jax.random.normal(ks[0], (B,), dtype=jnp.float32),
        "means": jax.random.normal(ks[1], (T, B, D), dtype=jnp.float32),
        "other_loglik": jax.random.normal(ks[2], (B,), dtype=jnp.float32),
        "other_means": jax.random.normal(ks[3], (T, B, D), dtype=jnp.float32),
        "exch_inds": jax.random.randint(ks[4], (N_EXCH,), 0, B, dtype=jnp.int32),
        "resample_inds": jax.random.randint(ks[5], (B,), 0, B, dtype=jnp.int32),
    }


def reference(loglik, means, other_loglik, other_means, exch_inds, resample_inds):
    # FilterResult.exchange: scatter-overwrite selected particle indices of self
    # with the corresponding rows of the other filter result.
    #   self._loglikelihood[inds] = res.loglikelihood[inds]
    ll = loglik.at[exch_inds].set(other_loglik[exch_inds])
    #   for old_fm, new_fm in zip(...): old_fm[inds] = new_fm[inds]
    # filter means stacked as [T, B, D]; exchange along particle axis for every timestep.
    ms = means.at[:, exch_inds, :].set(other_means[:, exch_inds, :])
    # FilterResult.resample(entire_history=True): gather along particle axis.
    #   self._loglikelihood = self.loglikelihood[inds]
    ll_res = ll[resample_inds]
    #   for mean in self._filter_means: mean[:] = mean[inds]
    ms_res = ms[:, resample_inds, :]
    return (ll_res, ms_res)

if __name__ == "__main__":
    import jax
    _d = setup_inputs()
    print(jax.jit(kernel)(*tuple(_d.values())))

</pallas_src>

<mosaic_0001>
#map = affine_map<(d0, d1) -> (0, 0)>
#map1 = affine_map<(d0, d1) -> (0, 0, 0, 0)>
#map2 = affine_map<(d0, d1) -> (0)>
module attributes {stable_mosaic.version = 14 : i64} {
  func.func @_exchange_resample(%arg0: i32, %arg1: i32, %arg2: memref<128x128xf32, #tpu.memory_space<hbm>>, %arg3: memref<128x128xf32, #tpu.memory_space<hbm>>, %arg4: memref<100x128x8x128xf32, #tpu.memory_space<hbm>>, %arg5: memref<100x128x8x128xf32, #tpu.memory_space<hbm>>, %arg6: memref<8192xi32, #tpu.memory_space<hbm>>, %arg7: memref<16384xi32, #tpu.memory_space<hbm>>, %arg8: memref<16384xf32, #tpu.memory_space<hbm>>, %arg9: memref<100x128x8x128xf32, #tpu.memory_space<hbm>>, %arg10: memref<16384xi32, #tpu.memory_space<vmem>>, %arg11: memref<512xi32, #tpu.memory_space<vmem>>, %arg12: memref<16384xi32, #tpu.memory_space<vmem>>, %arg13: memref<2x2x128x128xf32, #tpu.memory_space<vmem>>, %arg14: memref<128x128xf32, #tpu.memory_space<vmem>>, %arg15: memref<512xf32, #tpu.memory_space<vmem>>, %arg16: memref<!tpu.dma_semaphore, #tpu.memory_space<semaphore_mem>>, %arg17: memref<!tpu.dma_semaphore, #tpu.memory_space<semaphore_mem>>, %arg18: memref<!tpu.dma_semaphore, #tpu.memory_space<semaphore_mem>>) attributes {dimension_semantics = [#tpu.dimension_semantics<core_parallel>, #tpu.dimension_semantics<subcore_parallel>], iteration_bounds = array<i64: 2, 16>, scalar_prefetch = 0 : i64, scratch_operands = 9 : i64, tpu.core_type = #tpu.core_type<sc_vector_subcore>, window_params = [{transform_indices = #map}, {transform_indices = #map}, {transform_indices = #map1}, {transform_indices = #map1}, {transform_indices = #map2}, {transform_indices = #map2}, {transform_indices = #map2}, {transform_indices = #map1}]} {
    %mul3A = arith.constant 2 : i32
    %mul3A_0 = arith.muli %arg1, %mul3A : i32
    %add3A = arith.addi %mul3A_0, %arg0 : i32
    "tpu.region"() ({
      %run_scoped3A_231 = tpu.sem_alloc : memref<!tpu.dma_semaphore, #tpu.memory_space<semaphore_mem>>
      tpu.enqueue_dma source(%arg7 : memref<16384xi32, #tpu.memory_space<hbm>>) target(%arg12 : memref<16384xi32, #tpu.memory_space<vmem>>) target_semaphore(%run_scoped3A_231 : memref<!tpu.dma_semaphore, #tpu.memory_space<semaphore_mem>>)
      tpu.wait_dma2 semaphore(%run_scoped3A_231 : memref<!tpu.dma_semaphore, #tpu.memory_space<semaphore_mem>>) src(%arg7 : memref<16384xi32, #tpu.memory_space<hbm>>) dst(%arg12 : memref<16384xi32, #tpu.memory_space<vmem>>)
      tpu.yield
    }) : () -> ()
    %broadcast_in_dim3A = arith.constant 0 : i32
    %broadcast_in_dim3A_1 = vector.broadcast %broadcast_in_dim3A : i32 to vector<16xi32>
    %broadcast_in_dim3A_2 = arith.constant 1 : i32
    %broadcast_in_dim3A_3 = vector.broadcast %broadcast_in_dim3A_2 : i32 to vector<16xi32>
    %parallel_loop3A = arith.constant 0 : i32
    %parallel_loop3A_4 = arith.constant 16384 : i32
    %parallel_loop3A_5 = arith.constant 16 : i32
    scf.for %parallel_loop3A_231 = %parallel_loop3A to %parallel_loop3A_4 step %parallel_loop3A_5  : i32 {
      %parallel_loop3A_232 = arith.index_cast %parallel_loop3A_231 : i32 to index
      %parallel_loop3A_233 = tpu.vector_load %arg10[%parallel_loop3A_232] {strides = array<i32>} : memref<16384xi32, #tpu.memory_space<vmem>>, vector<16xi32>,
      tpu.vector_store %arg10[%parallel_loop3A_232], %broadcast_in_dim3A_1 {strides = array<i32>} : memref<16384xi32, #tpu.memory_space<vmem>>, vector<16xi32>,
    } {sc.loop_unroll_factor = 4 : i64, sc.parallel_access}
    %scan3A = arith.constant 0 : i32
    %scan3A_6 = arith.constant 0 : i32
    %scan3A_7 = arith.constant 16 : i32
    %scan3A_8 = arith.addi %scan3A_6, %scan3A_7 : i32
    %scan3A_9 = arith.constant 1 : i32
    %scan3A_10 = scf.for %scan3A_231 = %scan3A_6 to %scan3A_8 step %scan3A_9 iter_args(%scan3A_232 = %scan3A) -> (i32)  : i32 {
      %mul3A_233 = arith.constant 512 : i32
      %mul3A_234 = arith.muli %scan3A_231, %mul3A_233 : i32
      "tpu.region"() ({
        %run_scoped3A_239 = tpu.sem_alloc : memref<!tpu.dma_semaphore, #tpu.memory_space<semaphore_mem>>
        %dma_start3A_240 = tpu.memref_slice %arg6[%mul3A_234] : memref<8192xi32, #tpu.memory_space<hbm>> -> memref<512xi32, #tpu.memory_space<hbm>>
        %dma_start3A_241 = tpu.memref_slice %arg6[%mul3A_234] : memref<8192xi32, #tpu.memory_space<hbm>> -> memref<512xi32, #tpu.memory_space<hbm>>
        tpu.enqueue_dma source(%dma_start3A_241 : memref<512xi32, #tpu.memory_space<hbm>>) target(%arg11 : memref<512xi32, #tpu.memory_space<vmem>>) target_semaphore(%run_scoped3A_239 : memref<!tpu.dma_semaphore, #tpu.memory_space<semaphore_mem>>)
        %dma_wait3A_242 = tpu.memref_slice %arg6[%mul3A_234] : memref<8192xi32, #tpu.memory_space<hbm>> -> memref<512xi32, #tpu.memory_space<hbm>>
        %dma_wait3A_243 = tpu.memref_slice %arg6[%mul3A_234] : memref<8192xi32, #tpu.memory_space<hbm>> -> memref<512xi32, #tpu.memory_space<hbm>>
        tpu.wait_dma2 semaphore(%run_scoped3A_239 : memref<!tpu.dma_semaphore, #tpu.memory_space<semaphore_mem>>) src(%dma_wait3A_243 : memref<512xi32, #tpu.memory_space<hbm>>) dst(%arg11 : memref<512xi32, #tpu.memory_space<vmem>>)
        tpu.yield
      }) : () -> ()
      %parallel_loop3A_235 = arith.constant 0 : i32
      %parallel_loop3A_236 = arith.constant 512 : i32
      %parallel_loop3A_237 = arith.constant 16 : i32
      scf.for %parallel_loop3A_239 = %parallel_loop3A_235 to %parallel_loop3A_236 step %parallel_loop3A_237  : i32 {
        %parallel_loop3A_240 = arith.index_cast %parallel_loop3A_239 : i32 to index
        %parallel_loop3A_241 = tpu.vector_load %arg11[%parallel_loop3A_240] {strides = array<i32>} : memref<512xi32, #tpu.memory_space<vmem>>, vector<16xi32>,
        tpu.vector_store_idx %arg10[%parallel_loop3A_241], %broadcast_in_dim3A_3 : memref<16384xi32, #tpu.memory_space<vmem>>[vector<16xi32>], vector<16xi32>,
      } {sc.loop_unroll_factor = 4 : i64, sc.parallel_access}
      %scan3A_238 = arith.constant 0 : i32
      scf.yield %scan3A_238 : i32
    }
    %scan3A_11 = arith.constant 16 : i32
    %parallel_loop3A_12 = arith.constant 0 : i32
    %parallel_loop3A_13 = arith.constant 16384 : i32
    %parallel_loop3A_14 = arith.constant 16 : i32
    scf.for %parallel_loop3A_231 = %parallel_loop3A_12 to %parallel_loop3A_13 step %parallel_loop3A_14  : i32 {
      %parallel_loop3A_232 = arith.index_cast %parallel_loop3A_231 : i32 to index
      %parallel_loop3A_233 = tpu.vector_load %arg12[%parallel_loop3A_232] {strides = array<i32>} : memref<16384xi32, #tpu.memory_space<vmem>>, vector<16xi32>,
      %parallel_loop3A_234 = tpu.vector_load_idx %arg10[%parallel_loop3A_233] : memref<16384xi32, #tpu.memory_space<vmem>>[vector<16xi32>], vector<16xi32>,
      %parallel_loop3A_235 = arith.constant 16384 : i32
      %parallel_loop3A_236 = vector.broadcast %parallel_loop3A_235 : i32 to vector<16xi32>
      %parallel_loop3A_237 = arith.muli %parallel_loop3A_234, %parallel_loop3A_236 : vector<16xi32>
      %parallel_loop3A_238 = arith.addi %parallel_loop3A_233, %parallel_loop3A_237 : vector<16xi32>
      %parallel_loop3A_239 = arith.index_cast %parallel_loop3A_231 : i32 to index
      %parallel_loop3A_240 = tpu.vector_load %arg12[%parallel_loop3A_239] {strides = array<i32>} : memref<16384xi32, #tpu.memory_space<vmem>>, vector<16xi32>,
      tpu.vector_store %arg12[%parallel_loop3A_239], %parallel_loop3A_238 {strides = array<i32>} : memref<16384xi32, #tpu.memory_space<vmem>>, vector<16xi32>,
    } {sc.loop_unroll_factor = 4 : i64, sc.parallel_access}
    %run_scoped3A = arith.constant 0 : i32
    %run_scoped3A_15 = arith.constant 0 : i32
    "tpu.region"() ({
      %run_scoped3A_231 = tpu.sem_alloc : memref<!tpu.dma_semaphore, #tpu.memory_space<semaphore_mem>>
      %dma_start3A_232 = arith.constant 0 : i32
      %dma_start3A_233 = arith.constant 0 : i32
      %dma_start3A_234 = arith.constant 0 : i32
      %dma_start3A_235 = tpu.memref_slice %arg13[%run_scoped3A, %dma_start3A_232, %dma_start3A_233, %dma_start3A_234] : memref<2x2x128x128xf32, #tpu.memory_space<vmem>> -> memref<1x2x128x128xf32, #tpu.memory_space<vmem>>
      %dma_start3A_236 = tpu.memref_squeeze %dma_start3A_235 : memref<1x2x128x128xf32, #tpu.memory_space<vmem>> -> memref<2x128x128xf32, #tpu.memory_space<vmem>>
      %dma_start3A_237 = arith.constant 0 : i32
      %dma_start3A_238 = arith.constant 0 : i32
      %dma_start3A_239 = tpu.memref_slice %dma_start3A_236[%run_scoped3A_15, %dma_start3A_237, %dma_start3A_238] : memref<2x128x128xf32, #tpu.memory_space<vmem>> -> memref<1x128x128xf32, #tpu.memory_space<vmem>>
      %dma_start3A_240 = tpu.memref_squeeze %dma_start3A_239 : memref<1x128x128xf32, #tpu.memory_space<vmem>> -> memref<128x128xf32, #tpu.memory_space<vmem>>
      %dma_start3A_241 = arith.constant 0 : i32
      %dma_start3A_242 = arith.constant 0 : i32
      %dma_start3A_243 = arith.constant 0 : i32
      %dma_start3A_244 = tpu.memref_slice %arg13[%run_scoped3A, %dma_start3A_241, %dma_start3A_242, %dma_start3A_243] : memref<2x2x128x128xf32, #tpu.memory_space<vmem>> -> memref<1x2x128x128xf32, #tpu.memory_space<vmem>>
      %dma_start3A_245 = tpu.memref_squeeze %dma_start3A_244 : memref<1x2x128x128xf32, #tpu.memory_space<vmem>> -> memref<2x128x128xf32, #tpu.memory_space<vmem>>
      %dma_start3A_246 = arith.constant 0 : i32
      %dma_start3A_247 = arith.constant 0 : i32
      %dma_start3A_248 = tpu.memref_slice %dma_start3A_245[%run_scoped3A_15, %dma_start3A_246, %dma_start3A_247] : memref<2x128x128xf32, #tpu.memory_space<vmem>> -> memref<1x128x128xf32, #tpu.memory_space<vmem>>
      %dma_start3A_249 = tpu.memref_squeeze %dma_start3A_248 : memref<1x128x128xf32, #tpu.memory_space<vmem>> -> memref<128x128xf32, #tpu.memory_space<vmem>>
      tpu.enqueue_dma source(%arg2 : memref<128x128xf32, #tpu.memory_space<hbm>>) target(%dma_start3A_249 : memref<128x128xf32, #tpu.memory_space<vmem>>) target_semaphore(%run_scoped3A_231 : memref<!tpu.dma_semaphore, #tpu.memory_space<semaphore_mem>>)
      %dma_wait3A_250 = arith.constant 0 : i32
      %dma_wait3A_251 = arith.constant 0 : i32
      %dma_wait3A_252 = arith.constant 0 : i32
      %dma_wait3A_253 = tpu.memref_slice %arg13[%run_scoped3A, %dma_wait3A_250, %dma_wait3A_251, %dma_wait3A_252] : memref<2x2x128x128xf32, #tpu.memory_space<vmem>> -> memref<1x2x128x128xf32, #tpu.memory_space<vmem>>
      %dma_wait3A_254 = tpu.memref_squeeze %dma_wait3A_253 : memref<1x2x128x128xf32, #tpu.memory_space<vmem>> -> memref<2x128x128xf32, #tpu.memory_space<vmem>>
      %dma_wait3A_255 = arith.constant 0 : i32
      %dma_wait3A_256 = arith.constant 0 : i32
      %dma_wait3A_257 = tpu.memref_slice %dma_wait3A_254[%run_scoped3A_15, %dma_wait3A_255, %dma_wait3A_256] : memref<2x128x128xf32, #tpu.memory_space<vmem>> -> memref<1x128x128xf32, #tpu.memory_space<vmem>>
      %dma_wait3A_258 = tpu.memref_squeeze %dma_wait3A_257 : memref<1x128x128xf32, #tpu.memory_space<vmem>> -> memref<128x128xf32, #tpu.memory_space<vmem>>
      %dma_wait3A_259 = arith.constant 0 : i32
      %dma_wait3A_260 = arith.constant 0 : i32
      %dma_wait3A_261 = arith.constant 0 : i32
      %dma_wait3A_262 = tpu.memref_slice %arg13[%run_scoped3A, %dma_wait3A_259, %dma_wait3A_260, %dma_wait3A_261] : memref<2x2x128x128xf32, #tpu.memory_space<vmem>> -> memref<1x2x128x128xf32, #tpu.memory_space<vmem>>
      %dma_wait3A_263 = tpu.memref_squeeze %dma_wait3A_262 : memref<1x2x128x128xf32, #tpu.memory_space<vmem>> -> memref<2x128x128xf32, #tpu.memory_space<vmem>>
      %dma_wait3A_264 = arith.constant 0 : i32
      %dma_wait3A_265 = arith.constant 0 : i32
      %dma_wait3A_266 = tpu.memref_slice %dma_wait3A_263[%run_scoped3A_15, %dma_wait3A_264, %dma_wait3A_265] : memref<2x128x128xf32, #tpu.memory_space<vmem>> -> memref<1x128x128xf32, #tpu.memory_space<vmem>>
      %dma_wait3A_267 = tpu.memref_squeeze %dma_wait3A_266 : memref<1x128x128xf32, #tpu.memory_space<vmem>> -> memref<128x128xf32, #tpu.memory_space<vmem>>
      tpu.wait_dma2 semaphore(%run_scoped3A_231 : memref<!tpu.dma_semaphore, #tpu.memory_space<semaphore_mem>>) src(%arg2 : memref<128x128xf32, #tpu.memory_space<hbm>>) dst(%dma_wait3A_267 : memref<128x128xf32, #tpu.memory_space<vmem>>)
      tpu.yield
    }) : () -> ()
    %run_scoped3A_16 = arith.constant 0 : i32
    %run_scoped3A_17 = arith.constant 1 : i32
    "tpu.region"() ({
      %run_scoped3A_231 = tpu.sem_alloc : memref<!tpu.dma_semaphore, #tpu.memory_space<semaphore_mem>>
      %dma_start3A_232 = arith.constant 0 : i32
      %dma_start3A_233 = arith.constant 0 : i32
      %dma_start3A_234 = arith.constant 0 : i32
      %dma_start3A_235 = tpu.memref_slice %arg13[%run_scoped3A_16, %dma_start3A_232, %dma_start3A_233, %dma_start3A_234] : memref<2x2x128x128xf32, #tpu.memory_space<vmem>> -> memref<1x2x128x128xf32, #tpu.memory_space<vmem>>
      %dma_start3A_236 = tpu.memref_squeeze %dma_start3A_235 : memref<1x2x128x128xf32, #tpu.memory_space<vmem>> -> memref<2x128x128xf32, #tpu.memory_space<vmem>>
      %dma_start3A_237 = arith.constant 0 : i32
      %dma_start3A_238 = arith.constant 0 : i32
      %dma_start3A_239 = tpu.memref_slice %dma_start3A_236[%run_scoped3A_17, %dma_start3A_237, %dma_start3A_238] : memref<2x128x128xf32, #tpu.memory_space<vmem>> -> memref<1x128x128xf32, #tpu.memory_space<vmem>>
      %dma_start3A_240 = tpu.memref_squeeze %dma_start3A_239 : memref<1x128x128xf32, #tpu.memory_space<vmem>> -> memref<128x128xf32, #tpu.memory_space<vmem>>
      %dma_start3A_241 = arith.constant 0 : i32
      %dma_start3A_242 = arith.constant 0 : i32
      %dma_start3A_243 = arith.constant 0 : i32
      %dma_start3A_244 = tpu.memref_slice %arg13[%run_scoped3A_16, %dma_start3A_241, %dma_start3A_242, %dma_start3A_243] : memref<2x2x128x128xf32, #tpu.memory_space<vmem>> -> memref<1x2x128x128xf32, #tpu.memory_space<vmem>>
      %dma_start3A_245 = tpu.memref_squeeze %dma_start3A_244 : memref<1x2x128x128xf32, #tpu.memory_space<vmem>> -> memref<2x128x128xf32, #tpu.memory_space<vmem>>
      %dma_start3A_246 = arith.constant 0 : i32
      %dma_start3A_247 = arith.constant 0 : i32
      %dma_start3A_248 = tpu.memref_slice %dma_start3A_245[%run_scoped3A_17, %dma_start3A_246, %dma_start3A_247] : memref<2x128x128xf32, #tpu.memory_space<vmem>> -> memref<1x128x128xf32, #tpu.memory_space<vmem>>
      %dma_start3A_249 = tpu.memref_squeeze %dma_start3A_248 : memref<1x128x128xf32, #tpu.memory_space<vmem>> -> memref<128x128xf32, #tpu.memory_space<vmem>>
      tpu.enqueue_dma source(%arg3 : memref<128x128xf32, #tpu.memory_space<hbm>>) target(%dma_start3A_249 : memref<128x128xf32, #tpu.memory_space<vmem>>) target_semaphore(%run_scoped3A_231 : memref<!tpu.dma_semaphore, #tpu.memory_space<semaphore_mem>>)
      %dma_wait3A_250 = arith.constant 0 : i32
      %dma_wait3A_251 = arith.constant 0 : i32
      %dma_wait3A_252 = arith.constant 0 : i32
      %dma_wait3A_253 = tpu.memref_slice %arg13[%run_scoped3A_16, %dma_wait3A_250, %dma_wait3A_251, %dma_wait3A_252] : memref<2x2x128x128xf32, #tpu.memory_space<vmem>> -> memref<1x2x128x128xf32, #tpu.memory_space<vmem>>
      %dma_wait3A_254 = tpu.memref_squeeze %dma_wait3A_253 : memref<1x2x128x128xf32, #tpu.memory_space<vmem>> -> memref<2x128x128xf32, #tpu.memory_space<vmem>>
      %dma_wait3A_255 = arith.constant 0 : i32
      %dma_wait3A_256 = arith.constant 0 : i32
      %dma_wait3A_257 = tpu.memref_slice %dma_wait3A_254[%run_scoped3A_17, %dma_wait3A_255, %dma_wait3A_256] : memref<2x128x128xf32, #tpu.memory_space<vmem>> -> memref<1x128x128xf32, #tpu.memory_space<vmem>>
      %dma_wait3A_258 = tpu.memref_squeeze %dma_wait3A_257 : memref<1x128x128xf32, #tpu.memory_space<vmem>> -> memref<128x128xf32, #tpu.memory_space<vmem>>
      %dma_wait3A_259 = arith.constant 0 : i32
      %dma_wait3A_260 = arith.constant 0 : i32
      %dma_wait3A_261 = arith.constant 0 : i32
      %dma_wait3A_262 = tpu.memref_slice %arg13[%run_scoped3A_16, %dma_wait3A_259, %dma_wait3A_260, %dma_wait3A_261] : memref<2x2x128x128xf32, #tpu.memory_space<vmem>> -> memref<1x2x128x128xf32, #tpu.memory_space<vmem>>
      %dma_wait3A_263 = tpu.memref_squeeze %dma_wait3A_262 : memref<1x2x128x128xf32, #tpu.memory_space<vmem>> -> memref<2x128x128xf32, #tpu.memory_space<vmem>>
      %dma_wait3A_264 = arith.constant 0 : i32
      %dma_wait3A_265 = arith.constant 0 : i32
      %dma_wait3A_266 = tpu.memref_slice %dma_wait3A_263[%run_scoped3A_17, %dma_wait3A_264, %dma_wait3A_265] : memref<2x128x128xf32, #tpu.memory_space<vmem>> -> memref<1x128x128xf32, #tpu.memory_space<vmem>>
      %dma_wait3A_267 = tpu.memref_squeeze %dma_wait3A_266 : memref<1x128x128xf32, #tpu.memory_space<vmem>> -> memref<128x128xf32, #tpu.memory_space<vmem>>
      tpu.wait_dma2 semaphore(%run_scoped3A_231 : memref<!tpu.dma_semaphore, #tpu.memory_space<semaphore_mem>>) src(%arg3 : memref<128x128xf32, #tpu.memory_space<hbm>>) dst(%dma_wait3A_267 : memref<128x128xf32, #tpu.memory_space<vmem>>)
      tpu.yield
    }) : () -> ()
    %mul3A_18 = arith.constant 512 : i32
    %mul3A_19 = arith.muli %add3A, %mul3A_18 : i32
    %parallel_loop3A_20 = arith.constant 0 : i32
    %parallel_loop3A_21 = arith.constant 512 : i32
    %parallel_loop3A_22 = arith.constant 16 : i32
    %parallel_loop3A_23 = arith.constant 0 : i32
    scf.for %parallel_loop3A_231 = %parallel_loop3A_20 to %parallel_loop3A_21 step %parallel_loop3A_22  : i32 {
      %parallel_loop3A_232 = arith.addi %mul3A_19, %parallel_loop3A_231 : i32
      %parallel_loop3A_233 = arith.index_cast %parallel_loop3A_232 : i32 to index
      %parallel_loop3A_234 = tpu.vector_load %arg12[%parallel_loop3A_233] {strides = array<i32>} : memref<16384xi32, #tpu.memory_space<vmem>>, vector<16xi32>,
      %parallel_loop3A_235 = arith.constant 14 : i32
      %parallel_loop3A_236 = vector.broadcast %parallel_loop3A_235 : i32 to vector<16xi32>
      %parallel_loop3A_237 = arith.shrsi %parallel_loop3A_234, %parallel_loop3A_236 : vector<16xi32>
      %parallel_loop3A_238 = arith.constant 7 : i32
      %parallel_loop3A_239 = vector.broadcast %parallel_loop3A_238 : i32 to vector<16xi32>
      %parallel_loop3A_240 = arith.shrsi %parallel_loop3A_234, %parallel_loop3A_239 : vector<16xi32>
      %parallel_loop3A_241 = arith.constant 127 : i32
      %parallel_loop3A_242 = vector.broadcast %parallel_loop3A_241 : i32 to vector<16xi32>
      %parallel_loop3A_243 = arith.andi %parallel_loop3A_240, %parallel_loop3A_242 : vector<16xi32>
      %parallel_loop3A_244 = arith.constant 127 : i32
      %parallel_loop3A_245 = vector.broadcast %parallel_loop3A_244 : i32 to vector<16xi32>
      %parallel_loop3A_246 = arith.andi %parallel_loop3A_234, %parallel_loop3A_245 : vector<16xi32>
      %parallel_loop3A_247 = arith.constant 0 : i32
      %parallel_loop3A_248 = arith.constant 0 : i32
      %parallel_loop3A_249 = arith.constant 0 : i32
      %parallel_loop3A_250 = tpu.memref_slice %arg13[%parallel_loop3A_23, %parallel_loop3A_247, %parallel_loop3A_248, %parallel_loop3A_249] : memref<2x2x128x128xf32, #tpu.memory_space<vmem>> -> memref<1x2x128x128xf32, #tpu.memory_space<vmem>>
      %parallel_loop3A_251 = tpu.memref_squeeze %parallel_loop3A_250 : memref<1x2x128x128xf32, #tpu.memory_space<vmem>> -> memref<2x128x128xf32, #tpu.memory_space<vmem>>
      %parallel_loop3A_252 = tpu.vector_load_idx %parallel_loop3A_251[%parallel_loop3A_237, %parallel_loop3A_243, %parallel_loop3A_246] : memref<2x128x128xf32, #tpu.memory_space<vmem>>[vector<16xi32>, vector<16xi32>, vector<16xi32>], vector<16xf32>,
      %parallel_loop3A_253 = arith.index_cast %parallel_loop3A_231 : i32 to index
      %parallel_loop3A_254 = tpu.vector_load %arg15[%parallel_loop3A_253] {strides = array<i32>} : memref<512xf32, #tpu.memory_space<vmem>>, vector<16xf32>,
      tpu.vector_store %arg15[%parallel_loop3A_253], %parallel_loop3A_252 {strides = array<i32>} : memref<512xf32, #tpu.memory_space<vmem>>, vector<16xf32>,
    } {sc.loop_unroll_factor = 4 : i64, sc.parallel_access}
    "tpu.region"() ({
      %run_scoped3A_231 = tpu.sem_alloc : memref<!tpu.dma_semaphore, #tpu.memory_space<semaphore_mem>>
      %dma_start3A_232 = tpu.memref_slice %arg8[%mul3A_19] : memref<16384xf32, #tpu.memory_space<hbm>> -> memref<512xf32, #tpu.memory_space<hbm>>
      %dma_start3A_233 = tpu.memref_slice %arg8[%mul3A_19] : memref<16384xf32, #tpu.memory_space<hbm>> -> memref<512xf32, #tpu.memory_space<hbm>>
      tpu.enqueue_dma source(%arg15 : memref<512xf32, #tpu.memory_space<vmem>>) target(%dma_start3A_233 : memref<512xf32, #tpu.memory_space<hbm>>) target_semaphore(%run_scoped3A_231 : memref<!tpu.dma_semaphore, #tpu.memory_space<semaphore_mem>>)
      %dma_wait3A_234 = tpu.memref_slice %arg8[%mul3A_19] : memref<16384xf32, #tpu.memory_space<hbm>> -> memref<512xf32, #tpu.memory_space<hbm>>
      %dma_wait3A_235 = tpu.memref_slice %arg8[%mul3A_19] : memref<16384xf32, #tpu.memory_space<hbm>> -> memref<512xf32, #tpu.memory_space<hbm>>
      tpu.wait_dma2 semaphore(%run_scoped3A_231 : memref<!tpu.dma_semaphore, #tpu.memory_space<semaphore_mem>>) src(%arg15 : memref<512xf32, #tpu.memory_space<vmem>>) dst(%dma_wait3A_235 : memref<512xf32, #tpu.memory_space<hbm>>)
      tpu.yield
    }) : () -> ()
    %jit3A = arith.constant 16 : i32
    %div3A = arith.divsi %add3A, %jit3A : i32
    %sign3A = arith.constant 0 : i32
    %sign3A_24 = arith.cmpi sgt, %add3A, %sign3A : i32
    %sign3A_25 = arith.extui %sign3A_24 : i1 to i32
    %sign3A_26 = arith.constant 0 : i32
    %sign3A_27 = arith.cmpi slt, %add3A, %sign3A_26 : i32
    %sign3A_28 = arith.extui %sign3A_27 : i1 to i32
    %sign3A_29 = arith.subi %sign3A_25, %sign3A_28 : i32
    %sign3A_30 = arith.constant 0 : i32
    %sign3A_31 = arith.cmpi sgt, %jit3A, %sign3A_30 : i32
    %sign3A_32 = arith.extui %sign3A_31 : i1 to i32
    %sign3A_33 = arith.constant 0 : i32
    %sign3A_34 = arith.cmpi slt, %jit3A, %sign3A_33 : i32
    %sign3A_35 = arith.extui %sign3A_34 : i1 to i32
    %sign3A_36 = arith.subi %sign3A_32, %sign3A_35 : i32
    %ne3A = arith.cmpi ne, %sign3A_29, %sign3A_36 : i32
    %rem3A = arith.remsi %add3A, %jit3A : i32
    %ne3A_37 = arith.constant 0 : i32
    %ne3A_38 = arith.cmpi ne, %rem3A, %ne3A_37 : i32
    %and3A = arith.andi %ne3A, %ne3A_38 : i1
    %sub3A = arith.constant 1 : i32
    %sub3A_39 = arith.subi %div3A, %sub3A : i32
    %select_n3A = arith.select %and3A, %sub3A_39, %div3A : i32
    %jit3A_40 = arith.constant 16 : i32
    %eq3A = arith.constant 0 : i32
    %eq3A_41 = arith.cmpi eq, %jit3A_40, %eq3A : i32
    %jit3A_42 = arith.constant 1 : i32
    %select_n3A_43 = arith.select %eq3A_41, %jit3A_42, %jit3A_40 : i32
    %rem3A_44 = arith.remsi %add3A, %select_n3A_43 : i32
    %ne3A_45 = arith.constant 0 : i32
    %ne3A_46 = arith.cmpi ne, %rem3A_44, %ne3A_45 : i32
    %lt3A = arith.constant 0 : i32
    %lt3A_47 = arith.cmpi slt, %rem3A_44, %lt3A : i32
    %lt3A_48 = arith.constant 0 : i32
    %lt3A_49 = arith.cmpi slt, %select_n3A_43, %lt3A_48 : i32
    %ne3A_50 = arith.xori %lt3A_47, %lt3A_49 : i1
    %and3A_51 = arith.andi %ne3A_50, %ne3A_46 : i1
    %add3A_52 = arith.addi %rem3A_44, %select_n3A_43 : i32
    %select_n3A_53 = arith.select %and3A_51, %add3A_52, %rem3A_44 : i32
    %mul3A_54 = arith.constant 2 : i32
    %mul3A_55 = arith.muli %select_n3A, %mul3A_54 : i32
    %jit3A_56 = arith.constant 8 : i32
    %div3A_57 = arith.divsi %select_n3A_53, %jit3A_56 : i32
    %sign3A_58 = arith.constant 0 : i32
    %sign3A_59 = arith.cmpi sgt, %select_n3A_53, %sign3A_58 : i32
    %sign3A_60 = arith.extui %sign3A_59 : i1 to i32
    %sign3A_61 = arith.constant 0 : i32
    %sign3A_62 = arith.cmpi slt, %select_n3A_53, %sign3A_61 : i32
    %sign3A_63 = arith.extui %sign3A_62 : i1 to i32
    %sign3A_64 = arith.subi %sign3A_60, %sign3A_63 : i32
    %sign3A_65 = arith.constant 0 : i32
    %sign3A_66 = arith.cmpi sgt, %jit3A_56, %sign3A_65 : i32
    %sign3A_67 = arith.extui %sign3A_66 : i1 to i32
    %sign3A_68 = arith.constant 0 : i32
    %sign3A_69 = arith.cmpi slt, %jit3A_56, %sign3A_68 : i32
    %sign3A_70 = arith.extui %sign3A_69 : i1 to i32
    %sign3A_71 = arith.subi %sign3A_67, %sign3A_70 : i32
    %ne3A_72 = arith.cmpi ne, %sign3A_64, %sign3A_71 : i32
    %rem3A_73 = arith.remsi %select_n3A_53, %jit3A_56 : i32
    %ne3A_74 = arith.constant 0 : i32
    %ne3A_75 = arith.cmpi ne, %rem3A_73, %ne3A_74 : i32
    %and3A_76 = arith.andi %ne3A_72, %ne3A_75 : i1
    %sub3A_77 = arith.constant 1 : i32
    %sub3A_78 = arith.subi %div3A_57, %sub3A_77 : i32
    %select_n3A_79 = arith.select %and3A_76, %sub3A_78, %div3A_57 : i32
    %add3A_80 = arith.addi %mul3A_55, %select_n3A_79 : i32
    %jit3A_81 = arith.constant 8 : i32
    %eq3A_82 = arith.constant 0 : i32
    %eq3A_83 = arith.cmpi eq, %jit3A_81, %eq3A_82 : i32
    %jit3A_84 = arith.constant 1 : i32
    %select_n3A_85 = arith.select %eq3A_83, %jit3A_84, %jit3A_81 : i32
    %rem3A_86 = arith.remsi %select_n3A_53, %select_n3A_85 : i32
    %ne3A_87 = arith.constant 0 : i32
    %ne3A_88 = arith.cmpi ne, %rem3A_86, %ne3A_87 : i32
    %lt3A_89 = arith.constant 0 : i32
    %lt3A_90 = arith.cmpi slt, %rem3A_86, %lt3A_89 : i32
    %lt3A_91 = arith.constant 0 : i32
    %lt3A_92 = arith.cmpi slt, %select_n3A_85, %lt3A_91 : i32
    %ne3A_93 = arith.xori %lt3A_90, %lt3A_92 : i1
    %and3A_94 = arith.andi %ne3A_93, %ne3A_88 : i1
    %add3A_95 = arith.addi %rem3A_86, %select_n3A_85 : i32
    %select_n3A_96 = arith.select %and3A_94, %add3A_95, %rem3A_86 : i32
    %dma_start3A = arith.constant 0 : i32
    %dma_start3A_97 = arith.constant 0 : i32
    %dma_start3A_98 = arith.constant 0 : i32
    %dma_start3A_99 = arith.constant 0 : i32
    %dma_start3A_100 = tpu.memref_slice %arg13[%dma_start3A, %dma_start3A_97, %dma_start3A_98, %dma_start3A_99] : memref<2x2x128x128xf32, #tpu.memory_space<vmem>> -> memref<1x1x128x128xf32, #tpu.memory_space<vmem>>
    %dma_start3A_101 = tpu.memref_squeeze %dma_start3A_100 : memref<1x1x128x128xf32, #tpu.memory_space<vmem>> -> memref<128x128xf32, #tpu.memory_space<vmem>>
    %dma_start3A_102 = arith.constant 0 : i32
    %dma_start3A_103 = arith.constant 0 : i32
    %dma_start3A_104 = tpu.memref_slice %arg4[%add3A_80, %dma_start3A_102, %select_n3A_96, %dma_start3A_103] : memref<100x128x8x128xf32, #tpu.memory_space<hbm>> -> memref<1x128x1x128xf32, #tpu.memory_space<hbm>>
    %dma_start3A_105 = tpu.memref_squeeze %dma_start3A_104 : memref<1x128x1x128xf32, #tpu.memory_space<hbm>> -> memref<128x128xf32, #tpu.memory_space<hbm>>
    %dma_start3A_106 = arith.constant 0 : i32
    %dma_start3A_107 = arith.constant 0 : i32
    %dma_start3A_108 = tpu.memref_slice %arg13[%dma_start3A, %dma_start3A_97, %dma_start3A_106, %dma_start3A_107] : memref<2x2x128x128xf32, #tpu.memory_space<vmem>> -> memref<1x1x128x128xf32, #tpu.memory_space<vmem>>
    %dma_start3A_109 = tpu.memref_squeeze %dma_start3A_108 : memref<1x1x128x128xf32, #tpu.memory_space<vmem>> -> memref<128x128xf32, #tpu.memory_space<vmem>>
    %dma_start3A_110 = arith.constant 0 : i32
    %dma_start3A_111 = arith.constant 0 : i32
    %dma_start3A_112 = tpu.memref_slice %arg4[%add3A_80, %dma_start3A_110, %select_n3A_96, %dma_start3A_111] : memref<100x128x8x128xf32, #tpu.memory_space<hbm>> -> memref<1x128x1x128xf32, #tpu.memory_space<hbm>>
    %dma_start3A_113 = tpu.memref_squeeze %dma_start3A_112 : memref<1x128x1x128xf32, #tpu.memory_space<hbm>> -> memref<128x128xf32, #tpu.memory_space<hbm>>
    tpu.enqueue_dma source(%dma_start3A_113 : memref<128x128xf32, #tpu.memory_space<hbm>>) target(%dma_start3A_109 : memref<128x128xf32, #tpu.memory_space<vmem>>) target_semaphore(%arg16 : memref<!tpu.dma_semaphore, #tpu.memory_space<semaphore_mem>>)
    %dma_start3A_114 = arith.constant 0 : i32
    %dma_start3A_115 = arith.constant 1 : i32
    %dma_start3A_116 = arith.constant 0 : i32
    %dma_start3A_117 = arith.constant 0 : i32
    %dma_start3A_118 = tpu.memref_slice %arg13[%dma_start3A_114, %dma_start3A_115, %dma_start3A_116, %dma_start3A_117] : memref<2x2x128x128xf32, #tpu.memory_space<vmem>> -> memref<1x1x128x128xf32, #tpu.memory_space<vmem>>
    %dma_start3A_119 = tpu.memref_squeeze %dma_start3A_118 : memref<1x1x128x128xf32, #tpu.memory_space<vmem>> -> memref<128x128xf32, #tpu.memory_space<vmem>>
    %dma_start3A_120 = arith.constant 0 : i32
    %dma_start3A_121 = arith.constant 0 : i32
    %dma_start3A_122 = tpu.memref_slice %arg5[%add3A_80, %dma_start3A_120, %select_n3A_96, %dma_start3A_121] : memref<100x128x8x128xf32, #tpu.memory_space<hbm>> -> memref<1x128x1x128xf32, #tpu.memory_space<hbm>>
    %dma_start3A_123 = tpu.memref_squeeze %dma_start3A_122 : memref<1x128x1x128xf32, #tpu.memory_space<hbm>> -> memref<128x128xf32, #tpu.memory_space<hbm>>
    %dma_start3A_124 = arith.constant 0 : i32
    %dma_start3A_125 = arith.constant 0 : i32
    %dma_start3A_126 = tpu.memref_slice %arg13[%dma_start3A_114, %dma_start3A_115, %dma_start3A_124, %dma_start3A_125] : memref<2x2x128x128xf32, #tpu.memory_space<vmem>> -> memref<1x1x128x128xf32, #tpu.memory_space<vmem>>
    %dma_start3A_127 = tpu.memref_squeeze %dma_start3A_126 : memref<1x1x128x128xf32, #tpu.memory_space<vmem>> -> memref<128x128xf32, #tpu.memory_space<vmem>>
    %dma_start3A_128 = arith.constant 0 : i32
    %dma_start3A_129 = arith.constant 0 : i32
    %dma_start3A_130 = tpu.memref_slice %arg5[%add3A_80, %dma_start3A_128, %select_n3A_96, %dma_start3A_129] : memref<100x128x8x128xf32, #tpu.memory_space<hbm>> -> memref<1x128x1x128xf32, #tpu.memory_space<hbm>>
    %dma_start3A_131 = tpu.memref_squeeze %dma_start3A_130 : memref<1x128x1x128xf32, #tpu.memory_space<hbm>> -> memref<128x128xf32, #tpu.memory_space<hbm>>
    tpu.enqueue_dma source(%dma_start3A_131 : memref<128x128xf32, #tpu.memory_space<hbm>>) target(%dma_start3A_127 : memref<128x128xf32, #tpu.memory_space<vmem>>) target_semaphore(%arg16 : memref<!tpu.dma_semaphore, #tpu.memory_space<semaphore_mem>>)
    %scan3A_132 = arith.constant 0 : i32
    %scan3A_133 = arith.constant 0 : i32
    %scan3A_134 = arith.constant 25 : i32
    %scan3A_135 = arith.addi %scan3A_133, %scan3A_134 : i32
    %scan3A_136 = arith.constant 1 : i32
    %scan3A_137 = scf.for %scan3A_231 = %scan3A_133 to %scan3A_135 step %scan3A_136 iter_args(%scan3A_232 = %scan3A_132) -> (i32)  : i32 {
      %mul3A_233 = arith.constant 32 : i32
      %mul3A_234 = arith.muli %scan3A_231, %mul3A_233 : i32
      %add3A_235 = arith.addi %add3A, %mul3A_234 : i32
      %rem3A_236 = arith.constant 2 : i32
      %rem3A_237 = arith.remsi %scan3A_231, %rem3A_236 : i32
      %eq3A_238 = arith.constant 0 : i32
      %eq3A_239 = arith.cmpi eq, %rem3A_237, %eq3A_238 : i32
      %convert_element_type3A = arith.extui %eq3A_239 : i1 to i32
      %cond3A = arith.constant 0 : i32
      %cond3A_240 = arith.cmpi ne, %convert_element_type3A, %cond3A : i32
      scf.if %cond3A_240 {
        %add3A_247 = arith.constant 1 : i32
        %add3A_248 = arith.addi %scan3A_231, %add3A_247 : i32
        %lt3A_249 = arith.constant 25 : i32
        %lt3A_250 = arith.cmpi slt, %add3A_248, %lt3A_249 : i32
        %convert_element_type3A_251 = arith.extui %lt3A_250 : i1 to i32
        %cond3A_252 = arith.constant 0 : i32
        %cond3A_253 = arith.cmpi ne, %convert_element_type3A_251, %cond3A_252 : i32
        scf.if %cond3A_253 {
          %add3A_472 = arith.constant 32 : i32
          %add3A_473 = arith.addi %add3A_235, %add3A_472 : i32
          %jit3A_474 = arith.constant 16 : i32
          %div3A_475 = arith.divsi %add3A_473, %jit3A_474 : i32
          %sign3A_476 = arith.constant 0 : i32
          %sign3A_477 = arith.cmpi sgt, %add3A_473, %sign3A_476 : i32
          %sign3A_478 = arith.extui %sign3A_477 : i1 to i32
          %sign3A_479 = arith.constant 0 : i32
          %sign3A_480 = arith.cmpi slt, %add3A_473, %sign3A_479 : i32
          %sign3A_481 = arith.extui %sign3A_480 : i1 to i32
          %sign3A_482 = arith.subi %sign3A_478, %sign3A_481 : i32
          %sign3A_483 = arith.constant 0 : i32
          %sign3A_484 = arith.cmpi sgt, %jit3A_474, %sign3A_483 : i32
          %sign3A_485 = arith.extui %sign3A_484 : i1 to i32
          %sign3A_486 = arith.constant 0 : i32
          %sign3A_487 = arith.cmpi slt, %jit3A_474, %sign3A_486 : i32
          %sign3A_488 = arith.extui %sign3A_487 : i1 to i32
          %sign3A_489 = arith.subi %sign3A_485, %sign3A_488 : i32
          %ne3A_490 = arith.cmpi ne, %sign3A_482, %sign3A_489 : i32
          %rem3A_491 = arith.remsi %add3A_473, %jit3A_474 : i32
          %ne3A_492 = arith.constant 0 : i32
          %ne3A_493 = arith.cmpi ne, %rem3A_491, %ne3A_492 : i32
          %and3A_494 = arith.andi %ne3A_490, %ne3A_493 : i1
          %sub3A_495 = arith.constant 1 : i32
          %sub3A_496 = arith.subi %div3A_475, %sub3A_495 : i32
          %select_n3A_497 = arith.select %and3A_494, %sub3A_496, %div3A_475 : i32
          %jit3A_498 = arith.constant 16 : i32
          %eq3A_499 = arith.constant 0 : i32
          %eq3A_500 = arith.cmpi eq, %jit3A_498, %eq3A_499 : i32
          %jit3A_501 = arith.constant 1 : i32
          %select_n3A_502 = arith.select %eq3A_500, %jit3A_501, %jit3A_498 : i32
          %rem3A_503 = arith.remsi %add3A_473, %select_n3A_502 : i32
          %ne3A_504 = arith.constant 0 : i32
          %ne3A_505 = arith.cmpi ne, %rem3A_503, %ne3A_504 : i32
          %lt3A_506 = arith.constant 0 : i32
          %lt3A_507 = arith.cmpi slt, %rem3A_503, %lt3A_506 : i32
          %lt3A_508 = arith.constant 0 : i32
          %lt3A_509 = arith.cmpi slt, %select_n3A_502, %lt3A_508 : i32
          %ne3A_510 = arith.xori %lt3A_507, %lt3A_509 : i1
          %and3A_511 = arith.andi %ne3A_510, %ne3A_505 : i1
          %add3A_512 = arith.addi %rem3A_503, %select_n3A_502 : i32
          %select_n3A_513 = arith.select %and3A_511, %add3A_512, %rem3A_503 : i32
          %mul3A_514 = arith.constant 2 : i32
          %mul3A_515 = arith.muli %select_n3A_497, %mul3A_514 : i32
          %jit3A_516 = arith.constant 8 : i32
          %div3A_517 = arith.divsi %select_n3A_513, %jit3A_516 : i32
          %sign3A_518 = arith.constant 0 : i32
          %sign3A_519 = arith.cmpi sgt, %select_n3A_513, %sign3A_518 : i32
          %sign3A_520 = arith.extui %sign3A_519 : i1 to i32
          %sign3A_521 = arith.constant 0 : i32
          %sign3A_522 = arith.cmpi slt, %select_n3A_513, %sign3A_521 : i32
          %sign3A_523 = arith.extui %sign3A_522 : i1 to i32
          %sign3A_524 = arith.subi %sign3A_520, %sign3A_523 : i32
          %sign3A_525 = arith.constant 0 : i32
          %sign3A_526 = arith.cmpi sgt, %jit3A_516, %sign3A_525 : i32
          %sign3A_527 = arith.extui %sign3A_526 : i1 to i32
          %sign3A_528 = arith.constant 0 : i32
          %sign3A_529 = arith.cmpi slt, %jit3A_516, %sign3A_528 : i32
          %sign3A_530 = arith.extui %sign3A_529 : i1 to i32
          %sign3A_531 = arith.subi %sign3A_527, %sign3A_530 : i32
          %ne3A_532 = arith.cmpi ne, %sign3A_524, %sign3A_531 : i32
          %rem3A_533 = arith.remsi %select_n3A_513, %jit3A_516 : i32
          %ne3A_534 = arith.constant 0 : i32
          %ne3A_535 = arith.cmpi ne, %rem3A_533, %ne3A_534 : i32
          %and3A_536 = arith.andi %ne3A_532, %ne3A_535 : i1
          %sub3A_537 = arith.constant 1 : i32
          %sub3A_538 = arith.subi %div3A_517, %sub3A_537 : i32
          %select_n3A_539 = arith.select %and3A_536, %sub3A_538, %div3A_517 : i32
          %add3A_540 = arith.addi %mul3A_515, %select_n3A_539 : i32
          %jit3A_541 = arith.constant 8 : i32
          %eq3A_542 = arith.constant 0 : i32
          %eq3A_543 = arith.cmpi eq, %jit3A_541, %eq3A_542 : i32
          %jit3A_544 = arith.constant 1 : i32
          %select_n3A_545 = arith.select %eq3A_543, %jit3A_544, %jit3A_541 : i32
          %rem3A_546 = arith.remsi %select_n3A_513, %select_n3A_545 : i32
          %ne3A_547 = arith.constant 0 : i32
          %ne3A_548 = arith.cmpi ne, %rem3A_546, %ne3A_547 : i32
          %lt3A_549 = arith.constant 0 : i32
          %lt3A_550 = arith.cmpi slt, %rem3A_546, %lt3A_549 : i32
          %lt3A_551 = arith.constant 0 : i32
          %lt3A_552 = arith.cmpi slt, %select_n3A_545, %lt3A_551 : i32
          %ne3A_553 = arith.xori %lt3A_550, %lt3A_552 : i1
          %and3A_554 = arith.andi %ne3A_553, %ne3A_548 : i1
          %add3A_555 = arith.addi %rem3A_546, %select_n3A_545 : i32
          %select_n3A_556 = arith.select %and3A_554, %add3A_555, %rem3A_546 : i32
          %dma_start3A_557 = arith.constant 1 : i32
          %dma_start3A_558 = arith.constant 0 : i32
          %dma_start3A_559 = arith.constant 0 : i32
          %dma_start3A_560 = arith.constant 0 : i32
          %dma_start3A_561 = tpu.memref_slice %arg13[%dma_start3A_557, %dma_start3A_558, %dma_start3A_559, %dma_start3A_560] : memref<2x2x128x128xf32, #tpu.memory_space<vmem>> -> memref<1x1x128x128xf32, #tpu.memory_space<vmem>>
          %dma_start3A_562 = tpu.memref_squeeze %dma_start3A_561 : memref<1x1x128x128xf32, #tpu.memory_space<vmem>> -> memref<128x128xf32, #tpu.memory_space<vmem>>
          %dma_start3A_563 = arith.constant 0 : i32
          %dma_start3A_564 = arith.constant 0 : i32
          %dma_start3A_565 = tpu.memref_slice %arg4[%add3A_540, %dma_start3A_563, %select_n3A_556, %dma_start3A_564] : memref<100x128x8x128xf32, #tpu.memory_space<hbm>> -> memref<1x128x1x128xf32, #tpu.memory_space<hbm>>
          %dma_start3A_566 = tpu.memref_squeeze %dma_start3A_565 : memref<1x128x1x128xf32, #tpu.memory_space<hbm>> -> memref<128x128xf32, #tpu.memory_space<hbm>>
          %dma_start3A_567 = arith.constant 0 : i32
          %dma_start3A_568 = arith.constant 0 : i32
          %dma_start3A_569 = tpu.memref_slice %arg13[%dma_start3A_557, %dma_start3A_558, %dma_start3A_567, %dma_start3A_568] : memref<2x2x128x128xf32, #tpu.memory_space<vmem>> -> memref<1x1x128x128xf32, #tpu.memory_space<vmem>>
          %dma_start3A_570 = tpu.memref_squeeze %dma_start3A_569 : memref<1x1x128x128xf32, #tpu.memory_space<vmem>> -> memref<128x128xf32, #tpu.memory_space<vmem>>
          %dma_start3A_571 = arith.constant 0 : i32
          %dma_start3A_572 = arith.constant 0 : i32
          %dma_start3A_573 = tpu.memref_slice %arg4[%add3A_540, %dma_start3A_571, %select_n3A_556, %dma_start3A_572] : memref<100x128x8x128xf32, #tpu.memory_space<hbm>> -> memref<1x128x1x128xf32, #tpu.memory_space<hbm>>
          %dma_start3A_574 = tpu.memref_squeeze %dma_start3A_573 : memref<1x128x1x128xf32, #tpu.memory_space<hbm>> -> memref<128x128xf32, #tpu.memory_space<hbm>>
          tpu.enqueue_dma source(%dma_start3A_574 : memref<128x128xf32, #tpu.memory_space<hbm>>) target(%dma_start3A_570 : memref<128x128xf32, #tpu.memory_space<vmem>>) target_semaphore(%arg17 : memref<!tpu.dma_semaphore, #tpu.memory_space<semaphore_mem>>)
          %dma_start3A_575 = arith.constant 1 : i32
          %dma_start3A_576 = arith.constant 1 : i32
          %dma_start3A_577 = arith.constant 0 : i32
          %dma_start3A_578 = arith.constant 0 : i32
          %dma_start3A_579 = tpu.memref_slice %arg13[%dma_start3A_575, %dma_start3A_576, %dma_start3A_577, %dma_start3A_578] : memref<2x2x128x128xf32, #tpu.memory_space<vmem>> -> memref<1x1x128x128xf32, #tpu.memory_space<vmem>>
          %dma_start3A_580 = tpu.memref_squeeze %dma_start3A_579 : memref<1x1x128x128xf32, #tpu.memory_space<vmem>> -> memref<128x128xf32, #tpu.memory_space<vmem>>
          %dma_start3A_581 = arith.constant 0 : i32
          %dma_start3A_582 = arith.constant 0 : i32
          %dma_start3A_583 = tpu.memref_slice %arg5[%add3A_540, %dma_start3A_581, %select_n3A_556, %dma_start3A_582] : memref<100x128x8x128xf32, #tpu.memory_space<hbm>> -> memref<1x128x1x128xf32, #tpu.memory_space<hbm>>
          %dma_start3A_584 = tpu.memref_squeeze %dma_start3A_583 : memref<1x128x1x128xf32, #tpu.memory_space<hbm>> -> memref<128x128xf32, #tpu.memory_space<hbm>>
          %dma_start3A_585 = arith.constant 0 : i32
          %dma_start3A_586 = arith.constant 0 : i32
          %dma_start3A_587 = tpu.memref_slice %arg13[%dma_start3A_575, %dma_start3A_576, %dma_start3A_585, %dma_start3A_586] : memref<2x2x128x128xf32, #tpu.memory_space<vmem>> -> memref<1x1x128x128xf32, #tpu.memory_space<vmem>>
          %dma_start3A_588 = tpu.memref_squeeze %dma_start3A_587 : memref<1x1x128x128xf32, #tpu.memory_space<vmem>> -> memref<128x128xf32, #tpu.memory_space<vmem>>
          %dma_start3A_589 = arith.constant 0 : i32
          %dma_start3A_590 = arith.constant 0 : i32
          %dma_start3A_591 = tpu.memref_slice %arg5[%add3A_540, %dma_start3A_589, %select_n3A_556, %dma_start3A_590] : memref<100x128x8x128xf32, #tpu.memory_space<hbm>> -> memref<1x128x1x128xf32, #tpu.memory_space<hbm>>
          %dma_start3A_592 = tpu.memref_squeeze %dma_start3A_591 : memref<1x128x1x128xf32, #tpu.memory_space<hbm>> -> memref<128x128xf32, #tpu.memory_space<hbm>>
          tpu.enqueue_dma source(%dma_start3A_592 : memref<128x128xf32, #tpu.memory_space<hbm>>) target(%dma_start3A_588 : memref<128x128xf32, #tpu.memory_space<vmem>>) target_semaphore(%arg17 : memref<!tpu.dma_semaphore, #tpu.memory_space<semaphore_mem>>)
        } else {
        }
        %jit3A_254 = arith.constant 16 : i32
        %div3A_255 = arith.divsi %add3A_235, %jit3A_254 : i32
        %sign3A_256 = arith.constant 0 : i32
        %sign3A_257 = arith.cmpi sgt, %add3A_235, %sign3A_256 : i32
        %sign3A_258 = arith.extui %sign3A_257 : i1 to i32
        %sign3A_259 = arith.constant 0 : i32
        %sign3A_260 = arith.cmpi slt, %add3A_235, %sign3A_259 : i32
        %sign3A_261 = arith.extui %sign3A_260 : i1 to i32
        %sign3A_262 = arith.subi %sign3A_258, %sign3A_261 : i32
        %sign3A_263 = arith.constant 0 : i32
        %sign3A_264 = arith.cmpi sgt, %jit3A_254, %sign3A_263 : i32
        %sign3A_265 = arith.extui %sign3A_264 : i1 to i32
        %sign3A_266 = arith.constant 0 : i32
        %sign3A_267 = arith.cmpi slt, %jit3A_254, %sign3A_266 : i32
        %sign3A_268 = arith.extui %sign3A_267 : i1 to i32
        %sign3A_269 = arith.subi %sign3A_265, %sign3A_268 : i32
        %ne3A_270 = arith.cmpi ne, %sign3A_262, %sign3A_269 : i32
        %rem3A_271 = arith.remsi %add3A_235, %jit3A_254 : i32
        %ne3A_272 = arith.constant 0 : i32
        %ne3A_273 = arith.cmpi ne, %rem3A_271, %ne3A_272 : i32
        %and3A_274 = arith.andi %ne3A_270, %ne3A_273 : i1
        %sub3A_275 = arith.constant 1 : i32
        %sub3A_276 = arith.subi %div3A_255, %sub3A_275 : i32
        %select_n3A_277 = arith.select %and3A_274, %sub3A_276, %div3A_255 : i32
        %jit3A_278 = arith.constant 16 : i32
        %eq3A_279 = arith.constant 0 : i32
        %eq3A_280 = arith.cmpi eq, %jit3A_278, %eq3A_279 : i32
        %jit3A_281 = arith.constant 1 : i32
        %select_n3A_282 = arith.select %eq3A_280, %jit3A_281, %jit3A_278 : i32
        %rem3A_283 = arith.remsi %add3A_235, %select_n3A_282 : i32
        %ne3A_284 = arith.constant 0 : i32
        %ne3A_285 = arith.cmpi ne, %rem3A_283, %ne3A_284 : i32
        %lt3A_286 = arith.constant 0 : i32
        %lt3A_287 = arith.cmpi slt, %rem3A_283, %lt3A_286 : i32
        %lt3A_288 = arith.constant 0 : i32
        %lt3A_289 = arith.cmpi slt, %select_n3A_282, %lt3A_288 : i32
        %ne3A_290 = arith.xori %lt3A_287, %lt3A_289 : i1
        %and3A_291 = arith.andi %ne3A_290, %ne3A_285 : i1
        %add3A_292 = arith.addi %rem3A_283, %select_n3A_282 : i32
        %select_n3A_293 = arith.select %and3A_291, %add3A_292, %rem3A_283 : i32
        %mul3A_294 = arith.constant 2 : i32
        %mul3A_295 = arith.muli %select_n3A_277, %mul3A_294 : i32
        %jit3A_296 = arith.constant 8 : i32
        %div3A_297 = arith.divsi %select_n3A_293, %jit3A_296 : i32
        %sign3A_298 = arith.constant 0 : i32
        %sign3A_299 = arith.cmpi sgt, %select_n3A_293, %sign3A_298 : i32
        %sign3A_300 = arith.extui %sign3A_299 : i1 to i32
        %sign3A_301 = arith.constant 0 : i32
        %sign3A_302 = arith.cmpi slt, %select_n3A_293, %sign3A_301 : i32
        %sign3A_303 = arith.extui %sign3A_302 : i1 to i32
        %sign3A_304 = arith.subi %sign3A_300, %sign3A_303 : i32
        %sign3A_305 = arith.constant 0 : i32
        %sign3A_306 = arith.cmpi sgt, %jit3A_296, %sign3A_305 : i32
        %sign3A_307 = arith.extui %sign3A_306 : i1 to i32
        %sign3A_308 = arith.constant 0 : i32
        %sign3A_309 = arith.cmpi slt, %jit3A_296, %sign3A_308 : i32
        %sign3A_310 = arith.extui %sign3A_309 : i1 to i32
        %sign3A_311 = arith.subi %sign3A_307, %sign3A_310 : i32
        %ne3A_312 = arith.cmpi ne, %sign3A_304, %sign3A_311 : i32
        %rem3A_313 = arith.remsi %select_n3A_293, %jit3A_296 : i32
        %ne3A_314 = arith.constant 0 : i32
        %ne3A_315 = arith.cmpi ne, %rem3A_313, %ne3A_314 : i32
        %and3A_316 = arith.andi %ne3A_312, %ne3A_315 : i1
        %sub3A_317 = arith.constant 1 : i32
        %sub3A_318 = arith.subi %div3A_297, %sub3A_317 : i32
        %select_n3A_319 = arith.select %and3A_316, %sub3A_318, %div3A_297 : i32
        %add3A_320 = arith.addi %mul3A_295, %select_n3A_319 : i32
        %jit3A_321 = arith.constant 8 : i32
        %eq3A_322 = arith.constant 0 : i32
        %eq3A_323 = arith.cmpi eq, %jit3A_321, %eq3A_322 : i32
        %jit3A_324 = arith.constant 1 : i32
        %select_n3A_325 = arith.select %eq3A_323, %jit3A_324, %jit3A_321 : i32
        %rem3A_326 = arith.remsi %select_n3A_293, %select_n3A_325 : i32
        %ne3A_327 = arith.constant 0 : i32
        %ne3A_328 = arith.cmpi ne, %rem3A_326, %ne3A_327 : i32
        %lt3A_329 = arith.constant 0 : i32
        %lt3A_330 = arith.cmpi slt, %rem3A_326, %lt3A_329 : i32
        %lt3A_331 = arith.constant 0 : i32
        %lt3A_332 = arith.cmpi slt, %select_n3A_325, %lt3A_331 : i32
        %ne3A_333 = arith.xori %lt3A_330, %lt3A_332 : i1
        %and3A_334 = arith.andi %ne3A_333, %ne3A_328 : i1
        %add3A_335 = arith.addi %rem3A_326, %select_n3A_325 : i32
        %select_n3A_336 = arith.select %and3A_334, %add3A_335, %rem3A_326 : i32
        %dma_wait3A_337 = arith.constant 0 : i32
        %dma_wait3A_338 = arith.constant 0 : i32
        %dma_wait3A_339 = arith.constant 0 : i32
        %dma_wait3A_340 = arith.constant 0 : i32
        %dma_wait3A_341 = tpu.memref_slice %arg13[%dma_wait3A_337, %dma_wait3A_338, %dma_wait3A_339, %dma_wait3A_340] : memref<2x2x128x128xf32, #tpu.memory_space<vmem>> -> memref<1x1x128x128xf32, #tpu.memory_space<vmem>>
        %dma_wait3A_342 = tpu.memref_squeeze %dma_wait3A_341 : memref<1x1x128x128xf32, #tpu.memory_space<vmem>> -> memref<128x128xf32, #tpu.memory_space<vmem>>
        %dma_wait3A_343 = arith.constant 0 : i32
        %dma_wait3A_344 = arith.constant 0 : i32
        %dma_wait3A_345 = tpu.memref_slice %arg4[%add3A_320, %dma_wait3A_343, %select_n3A_336, %dma_wait3A_344] : memref<100x128x8x128xf32, #tpu.memory_space<hbm>> -> memref<1x128x1x128xf32, #tpu.memory_space<hbm>>
        %dma_wait3A_346 = tpu.memref_squeeze %dma_wait3A_345 : memref<1x128x1x128xf32, #tpu.memory_space<hbm>> -> memref<128x128xf32, #tpu.memory_space<hbm>>
        %dma_wait3A_347 = arith.constant 0 : i32
        %dma_wait3A_348 = arith.constant 0 : i32
        %dma_wait3A_349 = tpu.memref_slice %arg13[%dma_wait3A_337, %dma_wait3A_338, %dma_wait3A_347, %dma_wait3A_348] : memref<2x2x128x128xf32, #tpu.memory_space<vmem>> -> memref<1x1x128x128xf32, #tpu.memory_space<vmem>>
        %dma_wait3A_350 = tpu.memref_squeeze %dma_wait3A_349 : memref<1x1x128x128xf32, #tpu.memory_space<vmem>> -> memref<128x128xf32, #tpu.memory_space<vmem>>
        %dma_wait3A_351 = arith.constant 0 : i32
        %dma_wait3A_352 = arith.constant 0 : i32
        %dma_wait3A_353 = tpu.memref_slice %arg4[%add3A_320, %dma_wait3A_351, %select_n3A_336, %dma_wait3A_352] : memref<100x128x8x128xf32, #tpu.memory_space<hbm>> -> memref<1x128x1x128xf32, #tpu.memory_space<hbm>>
        %dma_wait3A_354 = tpu.memref_squeeze %dma_wait3A_353 : memref<1x128x1x128xf32, #tpu.memory_space<hbm>> -> memref<128x128xf32, #tpu.memory_space<hbm>>
        tpu.wait_dma2 semaphore(%arg16 : memref<!tpu.dma_semaphore, #tpu.memory_space<semaphore_mem>>) src(%dma_wait3A_354 : memref<128x128xf32, #tpu.memory_space<hbm>>) dst(%dma_wait3A_350 : memref<128x128xf32, #tpu.memory_space<vmem>>)
        %dma_wait3A_355 = arith.constant 0 : i32
        %dma_wait3A_356 = arith.constant 1 : i32
        %dma_wait3A_357 = arith.constant 0 : i32
        %dma_wait3A_358 = arith.constant 0 : i32
        %dma_wait3A_359 = tpu.memref_slice %arg13[%dma_wait3A_355, %dma_wait3A_356, %dma_wait3A_357, %dma_wait3A_358] : memref<2x2x128x128xf32, #tpu.memory_space<vmem>> -> memref<1x1x128x128xf32, #tpu.memory_space<vmem>>
        %dma_wait3A_360 = tpu.memref_squeeze %dma_wait3A_359 : memref<1x1x128x128xf32, #tpu.memory_space<vmem>> -> memref<128x128xf32, #tpu.memory_space<vmem>>
        %dma_wait3A_361 = arith.constant 0 : i32
        %dma_wait3A_362 = arith.constant 0 : i32
        %dma_wait3A_363 = tpu.memref_slice %arg5[%add3A_320, %dma_wait3A_361, %select_n3A_336, %dma_wait3A_362] : memref<100x128x8x128xf32, #tpu.memory_space<hbm>> -> memref<1x128x1x128xf32, #tpu.memory_space<hbm>>
        %dma_wait3A_364 = tpu.memref_squeeze %dma_wait3A_363 : memref<1x128x1x128xf32, #tpu.memory_space<hbm>> -> memref<128x128xf32, #tpu.memory_space<hbm>>
        %dma_wait3A_365 = arith.constant 0 : i32
        %dma_wait3A_366 = arith.constant 0 : i32
        %dma_wait3A_367 = tpu.memref_slice %arg13[%dma_wait3A_355, %dma_wait3A_356, %dma_wait3A_365, %dma_wait3A_366] : memref<2x2x128x128xf32, #tpu.memory_space<vmem>> -> memref<1x1x128x128xf32, #tpu.memory_space<vmem>>
        %dma_wait3A_368 = tpu.memref_squeeze %dma_wait3A_367 : memref<1x1x128x128xf32, #tpu.memory_space<vmem>> -> memref<128x128xf32, #tpu.memory_space<vmem>>
        %dma_wait3A_369 = arith.constant 0 : i32
        %dma_wait3A_370 = arith.constant 0 : i32
        %dma_wait3A_371 = tpu.memref_slice %arg5[%add3A_320, %dma_wait3A_369, %select_n3A_336, %dma_wait3A_370] : memref<100x128x8x128xf32, #tpu.memory_space<hbm>> -> memref<1x128x1x128xf32, #tpu.memory_space<hbm>>
        %dma_wait3A_372 = tpu.memref_squeeze %dma_wait3A_371 : memref<1x128x1x128xf32, #tpu.memory_space<hbm>> -> memref<128x128xf32, #tpu.memory_space<hbm>>
        tpu.wait_dma2 semaphore(%arg16 : memref<!tpu.dma_semaphore, #tpu.memory_space<semaphore_mem>>) src(%dma_wait3A_372 : memref<128x128xf32, #tpu.memory_space<hbm>>) dst(%dma_wait3A_368 : memref<128x128xf32, #tpu.memory_space<vmem>>)
        %ge3A = arith.constant 1 : i32
        %ge3A_373 = arith.cmpi sge, %scan3A_231, %ge3A : i32
        %convert_element_type3A_374 = arith.extui %ge3A_373 : i1 to i32
        %cond3A_375 = arith.constant 0 : i32
        %cond3A_376 = arith.cmpi ne, %convert_element_type3A_374, %cond3A_375 : i32
        scf.if %cond3A_376 {
          %sub3A_472 = arith.constant 32 : i32
          %sub3A_473 = arith.subi %add3A_235, %sub3A_472 : i32
          %jit3A_474 = arith.constant 16 : i32
          %div3A_475 = arith.divsi %sub3A_473, %jit3A_474 : i32
          %sign3A_476 = arith.constant 0 : i32
          %sign3A_477 = arith.cmpi sgt, %sub3A_473, %sign3A_476 : i32
          %sign3A_478 = arith.extui %sign3A_477 : i1 to i32
          %sign3A_479 = arith.constant 0 : i32
          %sign3A_480 = arith.cmpi slt, %sub3A_473, %sign3A_479 : i32
          %sign3A_481 = arith.extui %sign3A_480 : i1 to i32
          %sign3A_482 = arith.subi %sign3A_478, %sign3A_481 : i32
          %sign3A_483 = arith.constant 0 : i32
          %sign3A_484 = arith.cmpi sgt, %jit3A_474, %sign3A_483 : i32
          %sign3A_485 = arith.extui %sign3A_484 : i1 to i32
          %sign3A_486 = arith.constant 0 : i32
          %sign3A_487 = arith.cmpi slt, %jit3A_474, %sign3A_486 : i32
          %sign3A_488 = arith.extui %sign3A_487 : i1 to i32
          %sign3A_489 = arith.subi %sign3A_485, %sign3A_488 : i32
          %ne3A_490 = arith.cmpi ne, %sign3A_482, %sign3A_489 : i32
          %rem3A_491 = arith.remsi %sub3A_473, %jit3A_474 : i32
          %ne3A_492 = arith.constant 0 : i32
          %ne3A_493 = arith.cmpi ne, %rem3A_491, %ne3A_492 : i32
          %and3A_494 = arith.andi %ne3A_490, %ne3A_493 : i1
          %sub3A_495 = arith.constant 1 : i32
          %sub3A_496 = arith.subi %div3A_475, %sub3A_495 : i32
          %select_n3A_497 = arith.select %and3A_494, %sub3A_496, %div3A_475 : i32
          %jit3A_498 = arith.constant 16 : i32
          %eq3A_499 = arith.constant 0 : i32
          %eq3A_500 = arith.cmpi eq, %jit3A_498, %eq3A_499 : i32
          %jit3A_501 = arith.constant 1 : i32
          %select_n3A_502 = arith.select %eq3A_500, %jit3A_501, %jit3A_498 : i32
          %rem3A_503 = arith.remsi %sub3A_473, %select_n3A_502 : i32
          %ne3A_504 = arith.constant 0 : i32
          %ne3A_505 = arith.cmpi ne, %rem3A_503, %ne3A_504 : i32
          %lt3A_506 = arith.constant 0 : i32
          %lt3A_507 = arith.cmpi slt, %rem3A_503, %lt3A_506 : i32
          %lt3A_508 = arith.constant 0 : i32
          %lt3A_509 = arith.cmpi slt, %select_n3A_502, %lt3A_508 : i32
          %ne3A_510 = arith.xori %lt3A_507, %lt3A_509 : i1
          %and3A_511 = arith.andi %ne3A_510, %ne3A_505 : i1
          %add3A_512 = arith.addi %rem3A_503, %select_n3A_502 : i32
          %select_n3A_513 = arith.select %and3A_511, %add3A_512, %rem3A_503 : i32
          %mul3A_514 = arith.constant 2 : i32
          %mul3A_515 = arith.muli %select_n3A_497, %mul3A_514 : i32
          %jit3A_516 = arith.constant 8 : i32
          %div3A_517 = arith.divsi %select_n3A_513, %jit3A_516 : i32
          %sign3A_518 = arith.constant 0 : i32
          %sign3A_519 = arith.cmpi sgt, %select_n3A_513, %sign3A_518 : i32
          %sign3A_520 = arith.extui %sign3A_519 : i1 to i32
          %sign3A_521 = arith.constant 0 : i32
          %sign3A_522 = arith.cmpi slt, %select_n3A_513, %sign3A_521 : i32
          %sign3A_523 = arith.extui %sign3A_522 : i1 to i32
          %sign3A_524 = arith.subi %sign3A_520, %sign3A_523 : i32
          %sign3A_525 = arith.constant 0 : i32
          %sign3A_526 = arith.cmpi sgt, %jit3A_516, %sign3A_525 : i32
          %sign3A_527 = arith.extui %sign3A_526 : i1 to i32
          %sign3A_528 = arith.constant 0 : i32
          %sign3A_529 = arith.cmpi slt, %jit3A_516, %sign3A_528 : i32
          %sign3A_530 = arith.extui %sign3A_529 : i1 to i32
          %sign3A_531 = arith.subi %sign3A_527, %sign3A_530 : i32
          %ne3A_532 = arith.cmpi ne, %sign3A_524, %sign3A_531 : i32
          %rem3A_533 = arith.remsi %select_n3A_513, %jit3A_516 : i32
          %ne3A_534 = arith.constant 0 : i32
          %ne3A_535 = arith.cmpi ne, %rem3A_533, %ne3A_534 : i32
          %and3A_536 = arith.andi %ne3A_532, %ne3A_535 : i1
          %sub3A_537 = arith.constant 1 : i32
          %sub3A_538 = arith.subi %div3A_517, %sub3A_537 : i32
          %select_n3A_539 = arith.select %and3A_536, %sub3A_538, %div3A_517 : i32
          %add3A_540 = arith.addi %mul3A_515, %select_n3A_539 : i32
          %jit3A_541 = arith.constant 8 : i32
          %eq3A_542 = arith.constant 0 : i32
          %eq3A_543 = arith.cmpi eq, %jit3A_541, %eq3A_542 : i32
          %jit3A_544 = arith.constant 1 : i32
          %select_n3A_545 = arith.select %eq3A_543, %jit3A_544, %jit3A_541 : i32
          %rem3A_546 = arith.remsi %select_n3A_513, %select_n3A_545 : i32
          %ne3A_547 = arith.constant 0 : i32
          %ne3A_548 = arith.cmpi ne, %rem3A_546, %ne3A_547 : i32
          %lt3A_549 = arith.constant 0 : i32
          %lt3A_550 = arith.cmpi slt, %rem3A_546, %lt3A_549 : i32
          %lt3A_551 = arith.constant 0 : i32
          %lt3A_552 = arith.cmpi slt, %select_n3A_545, %lt3A_551 : i32
          %ne3A_553 = arith.xori %lt3A_550, %lt3A_552 : i1
          %and3A_554 = arith.andi %ne3A_553, %ne3A_548 : i1
          %add3A_555 = arith.addi %rem3A_546, %select_n3A_545 : i32
          %select_n3A_556 = arith.select %and3A_554, %add3A_555, %rem3A_546 : i32
          %dma_wait3A_557 = arith.constant 0 : i32
          %dma_wait3A_558 = arith.constant 0 : i32
          %dma_wait3A_559 = tpu.memref_slice %arg9[%add3A_540, %dma_wait3A_557, %select_n3A_556, %dma_wait3A_558] : memref<100x128x8x128xf32, #tpu.memory_space<hbm>> -> memref<1x128x1x128xf32, #tpu.memory_space<hbm>>
          %dma_wait3A_560 = tpu.memref_squeeze %dma_wait3A_559 : memref<1x128x1x128xf32, #tpu.memory_space<hbm>> -> memref<128x128xf32, #tpu.memory_space<hbm>>
          %dma_wait3A_561 = arith.constant 0 : i32
          %dma_wait3A_562 = arith.constant 0 : i32
          %dma_wait3A_563 = tpu.memref_slice %arg9[%add3A_540, %dma_wait3A_561, %select_n3A_556, %dma_wait3A_562] : memref<100x128x8x128xf32, #tpu.memory_space<hbm>> -> memref<1x128x1x128xf32, #tpu.memory_space<hbm>>
          %dma_wait3A_564 = tpu.memref_squeeze %dma_wait3A_563 : memref<1x128x1x128xf32, #tpu.memory_space<hbm>> -> memref<128x128xf32, #tpu.memory_space<hbm>>
          tpu.wait_dma2 semaphore(%arg18 : memref<!tpu.dma_semaphore, #tpu.memory_space<semaphore_mem>>) src(%arg14 : memref<128x128xf32, #tpu.memory_space<vmem>>) dst(%dma_wait3A_564 : memref<128x128xf32, #tpu.memory_space<hbm>>)
        } else {
        }
        %parallel_loop3A_377 = arith.constant 0 : i32
        %parallel_loop3A_378 = arith.constant 16384 : i32
        %parallel_loop3A_379 = arith.constant 16 : i32
        %parallel_loop3A_380 = arith.constant 0 : i32
        scf.for %parallel_loop3A_472 = %parallel_loop3A_377 to %parallel_loop3A_378 step %parallel_loop3A_379  : i32 {
          %parallel_loop3A_473 = arith.index_cast %parallel_loop3A_472 : i32 to index
          %parallel_loop3A_474 = tpu.vector_load %arg12[%parallel_loop3A_473] {strides = array<i32>} : memref<16384xi32, #tpu.memory_space<vmem>>, vector<16xi32>,
          %parallel_loop3A_475 = arith.constant 14 : i32
          %parallel_loop3A_476 = vector.broadcast %parallel_loop3A_475 : i32 to vector<16xi32>
          %parallel_loop3A_477 = arith.shrsi %parallel_loop3A_474, %parallel_loop3A_476 : vector<16xi32>
          %parallel_loop3A_478 = arith.constant 7 : i32
          %parallel_loop3A_479 = vector.broadcast %parallel_loop3A_478 : i32 to vector<16xi32>
          %parallel_loop3A_480 = arith.shrsi %parallel_loop3A_474, %parallel_loop3A_479 : vector<16xi32>
          %parallel_loop3A_481 = arith.constant 127 : i32
          %parallel_loop3A_482 = vector.broadcast %parallel_loop3A_481 : i32 to vector<16xi32>
          %parallel_loop3A_483 = arith.andi %parallel_loop3A_480, %parallel_loop3A_482 : vector<16xi32>
          %parallel_loop3A_484 = arith.constant 127 : i32
          %parallel_loop3A_485 = vector.broadcast %parallel_loop3A_484 : i32 to vector<16xi32>
          %parallel_loop3A_486 = arith.andi %parallel_loop3A_474, %parallel_loop3A_485 : vector<16xi32>
          %parallel_loop3A_487 = arith.constant 0 : i32
          %parallel_loop3A_488 = arith.constant 0 : i32
          %parallel_loop3A_489 = arith.constant 0 : i32
          %parallel_loop3A_490 = tpu.memref_slice %arg13[%parallel_loop3A_380, %parallel_loop3A_487, %parallel_loop3A_488, %parallel_loop3A_489] : memref<2x2x128x128xf32, #tpu.memory_space<vmem>> -> memref<1x2x128x128xf32, #tpu.memory_space<vmem>>
          %parallel_loop3A_491 = tpu.memref_squeeze %parallel_loop3A_490 : memref<1x2x128x128xf32, #tpu.memory_space<vmem>> -> memref<2x128x128xf32, #tpu.memory_space<vmem>>
          %parallel_loop3A_492 = tpu.vector_load_idx %parallel_loop3A_491[%parallel_loop3A_477, %parallel_loop3A_483, %parallel_loop3A_486] : memref<2x128x128xf32, #tpu.memory_space<vmem>>[vector<16xi32>, vector<16xi32>, vector<16xi32>], vector<16xf32>,
          %parallel_loop3A_493 = arith.constant 7 : i32
          %parallel_loop3A_494 = arith.shrsi %parallel_loop3A_472, %parallel_loop3A_493 : i32
          %parallel_loop3A_495 = arith.constant 127 : i32
          %parallel_loop3A_496 = arith.andi %parallel_loop3A_472, %parallel_loop3A_495 : i32
          %parallel_loop3A_497 = arith.index_cast %parallel_loop3A_494 : i32 to index
          %parallel_loop3A_498 = arith.index_cast %parallel_loop3A_496 : i32 to index
          %parallel_loop3A_499 = tpu.vector_load %arg14[%parallel_loop3A_497, %parallel_loop3A_498] {strides = array<i32>} : memref<128x128xf32, #tpu.memory_space<vmem>>, vector<16xf32>,
          tpu.vector_store %arg14[%parallel_loop3A_497, %parallel_loop3A_498], %parallel_loop3A_492 {strides = array<i32>} : memref<128x128xf32, #tpu.memory_space<vmem>>, vector<16xf32>,
        } {sc.loop_unroll_factor = 8 : i64, sc.parallel_access}
        %jit3A_381 = arith.constant 16 : i32
        %div3A_382 = arith.divsi %add3A_235, %jit3A_381 : i32
        %sign3A_383 = arith.constant 0 : i32
        %sign3A_384 = arith.cmpi sgt, %add3A_235, %sign3A_383 : i32
        %sign3A_385 = arith.extui %sign3A_384 : i1 to i32
        %sign3A_386 = arith.constant 0 : i32
        %sign3A_387 = arith.cmpi slt, %add3A_235, %sign3A_386 : i32
        %sign3A_388 = arith.extui %sign3A_387 : i1 to i32
        %sign3A_389 = arith.subi %sign3A_385, %sign3A_388 : i32
        %sign3A_390 = arith.constant 0 : i32
        %sign3A_391 = arith.cmpi sgt, %jit3A_381, %sign3A_390 : i32
        %sign3A_392 = arith.extui %sign3A_391 : i1 to i32
        %sign3A_393 = arith.constant 0 : i32
        %sign3A_394 = arith.cmpi slt, %jit3A_381, %sign3A_393 : i32
        %sign3A_395 = arith.extui %sign3A_394 : i1 to i32
        %sign3A_396 = arith.subi %sign3A_392, %sign3A_395 : i32
        %ne3A_397 = arith.cmpi ne, %sign3A_389, %sign3A_396 : i32
        %rem3A_398 = arith.remsi %add3A_235, %jit3A_381 : i32
        %ne3A_399 = arith.constant 0 : i32
        %ne3A_400 = arith.cmpi ne, %rem3A_398, %ne3A_399 : i32
        %and3A_401 = arith.andi %ne3A_397, %ne3A_400 : i1
        %sub3A_402 = arith.constant 1 : i32
        %sub3A_403 = arith.subi %div3A_382, %sub3A_402 : i32
        %select_n3A_404 = arith.select %and3A_401, %sub3A_403, %div3A_382 : i32
        %jit3A_405 = arith.constant 16 : i32
        %eq3A_406 = arith.constant 0 : i32
        %eq3A_407 = arith.cmpi eq, %jit3A_405, %eq3A_406 : i32
        %jit3A_408 = arith.constant 1 : i32
        %select_n3A_409 = arith.select %eq3A_407, %jit3A_408, %jit3A_405 : i32
        %rem3A_410 = arith.remsi %add3A_235, %select_n3A_409 : i32
        %ne3A_411 = arith.constant 0 : i32
        %ne3A_412 = arith.cmpi ne, %rem3A_410, %ne3A_411 : i32
        %lt3A_413 = arith.constant 0 : i32
        %lt3A_414 = arith.cmpi slt, %rem3A_410, %lt3A_413 : i32
        %lt3A_415 = arith.constant 0 : i32
        %lt3A_416 = arith.cmpi slt, %select_n3A_409, %lt3A_415 : i32
        %ne3A_417 = arith.xori %lt3A_414, %lt3A_416 : i1
        %and3A_418 = arith.andi %ne3A_417, %ne3A_412 : i1
        %add3A_419 = arith.addi %rem3A_410, %select_n3A_409 : i32
        %select_n3A_420 = arith.select %and3A_418, %add3A_419, %rem3A_410 : i32
        %mul3A_421 = arith.constant 2 : i32
        %mul3A_422 = arith.muli %select_n3A_404, %mul3A_421 : i32
        %jit3A_423 = arith.constant 8 : i32
        %div3A_424 = arith.divsi %select_n3A_420, %jit3A_423 : i32
        %sign3A_425 = arith.constant 0 : i32
        %sign3A_426 = arith.cmpi sgt, %select_n3A_420, %sign3A_425 : i32
        %sign3A_427 = arith.extui %sign3A_426 : i1 to i32
        %sign3A_428 = arith.constant 0 : i32
        %sign3A_429 = arith.cmpi slt, %select_n3A_420, %sign3A_428 : i32
        %sign3A_430 = arith.extui %sign3A_429 : i1 to i32
        %sign3A_431 = arith.subi %sign3A_427, %sign3A_430 : i32
        %sign3A_432 = arith.constant 0 : i32
        %sign3A_433 = arith.cmpi sgt, %jit3A_423, %sign3A_432 : i32
        %sign3A_434 = arith.extui %sign3A_433 : i1 to i32
        %sign3A_435 = arith.constant 0 : i32
        %sign3A_436 = arith.cmpi slt, %jit3A_423, %sign3A_435 : i32
        %sign3A_437 = arith.extui %sign3A_436 : i1 to i32
        %sign3A_438 = arith.subi %sign3A_434, %sign3A_437 : i32
        %ne3A_439 = arith.cmpi ne, %sign3A_431, %sign3A_438 : i32
        %rem3A_440 = arith.remsi %select_n3A_420, %jit3A_423 : i32
        %ne3A_441 = arith.constant 0 : i32
        %ne3A_442 = arith.cmpi ne, %rem3A_440, %ne3A_441 : i32
        %and3A_443 = arith.andi %ne3A_439, %ne3A_442 : i1
        %sub3A_444 = arith.constant 1 : i32
        %sub3A_445 = arith.subi %div3A_424, %sub3A_444 : i32
        %select_n3A_446 = arith.select %and3A_443, %sub3A_445, %div3A_424 : i32
        %add3A_447 = arith.addi %mul3A_422, %select_n3A_446 : i32
        %jit3A_448 = arith.constant 8 : i32
        %eq3A_449 = arith.constant 0 : i32
        %eq3A_450 = arith.cmpi eq, %jit3A_448, %eq3A_449 : i32
        %jit3A_451 = arith.constant 1 : i32
        %select_n3A_452 = arith.select %eq3A_450, %jit3A_451, %jit3A_448 : i32
        %rem3A_453 = arith.remsi %select_n3A_420, %select_n3A_452 : i32
        %ne3A_454 = arith.constant 0 : i32
        %ne3A_455 = arith.cmpi ne, %rem3A_453, %ne3A_454 : i32
        %lt3A_456 = arith.constant 0 : i32
        %lt3A_457 = arith.cmpi slt, %rem3A_453, %lt3A_456 : i32
        %lt3A_458 = arith.constant 0 : i32
        %lt3A_459 = arith.cmpi slt, %select_n3A_452, %lt3A_458 : i32
        %ne3A_460 = arith.xori %lt3A_457, %lt3A_459 : i1
        %and3A_461 = arith.andi %ne3A_460, %ne3A_455 : i1
        %add3A_462 = arith.addi %rem3A_453, %select_n3A_452 : i32
        %select_n3A_463 = arith.select %and3A_461, %add3A_462, %rem3A_453 : i32
        %dma_start3A_464 = arith.constant 0 : i32
        %dma_start3A_465 = arith.constant 0 : i32
        %dma_start3A_466 = tpu.memref_slice %arg9[%add3A_447, %dma_start3A_464, %select_n3A_463, %dma_start3A_465] : memref<100x128x8x128xf32, #tpu.memory_space<hbm>> -> memref<1x128x1x128xf32, #tpu.memory_space<hbm>>
        %dma_start3A_467 = tpu.memref_squeeze %dma_start3A_466 : memref<1x128x1x128xf32, #tpu.memory_space<hbm>> -> memref<128x128xf32, #tpu.memory_space<hbm>>
        %dma_start3A_468 = arith.constant 0 : i32
        %dma_start3A_469 = arith.constant 0 : i32
        %dma_start3A_470 = tpu.memref_slice %arg9[%add3A_447, %dma_start3A_468, %select_n3A_463, %dma_start3A_469] : memref<100x128x8x128xf32, #tpu.memory_space<hbm>> -> memref<1x128x1x128xf32, #tpu.memory_space<hbm>>
        %dma_start3A_471 = tpu.memref_squeeze %dma_start3A_470 : memref<1x128x1x128xf32, #tpu.memory_space<hbm>> -> memref<128x128xf32, #tpu.memory_space<hbm>>
        tpu.enqueue_dma source(%arg14 : memref<128x128xf32, #tpu.memory_space<vmem>>) target(%dma_start3A_471 : memref<128x128xf32, #tpu.memory_space<hbm>>) target_semaphore(%arg18 : memref<!tpu.dma_semaphore, #tpu.memory_space<semaphore_mem>>)
      } else {
      }
      %eq3A_241 = arith.constant 1 : i32
      %eq3A_242 = arith.cmpi eq, %rem3A_237, %eq3A_241 : i32
      %convert_element_type3A_243 = arith.extui %eq3A_242 : i1 to i32
      %cond3A_244 = arith.constant 0 : i32
      %cond3A_245 = arith.cmpi ne, %convert_element_type3A_243, %cond3A_244 : i32
      scf.if %cond3A_245 {
        %add3A_247 = arith.constant 1 : i32
        %add3A_248 = arith.addi %scan3A_231, %add3A_247 : i32
        %lt3A_249 = arith.constant 25 : i32
        %lt3A_250 = arith.cmpi slt, %add3A_248, %lt3A_249 : i32
        %convert_element_type3A_251 = arith.extui %lt3A_250 : i1 to i32
        %cond3A_252 = arith.constant 0 : i32
        %cond3A_253 = arith.cmpi ne, %convert_element_type3A_251, %cond3A_252 : i32
        scf.if %cond3A_253 {
          %add3A_472 = arith.constant 32 : i32
          %add3A_473 = arith.addi %add3A_235, %add3A_472 : i32
          %jit3A_474 = arith.constant 16 : i32
          %div3A_475 = arith.divsi %add3A_473, %jit3A_474 : i32
          %sign3A_476 = arith.constant 0 : i32
          %sign3A_477 = arith.cmpi sgt, %add3A_473, %sign3A_476 : i32
          %sign3A_478 = arith.extui %sign3A_477 : i1 to i32
          %sign3A_479 = arith.constant 0 : i32
          %sign3A_480 = arith.cmpi slt, %add3A_473, %sign3A_479 : i32
          %sign3A_481 = arith.extui %sign3A_480 : i1 to i32
          %sign3A_482 = arith.subi %sign3A_478, %sign3A_481 : i32
          %sign3A_483 = arith.constant 0 : i32
          %sign3A_484 = arith.cmpi sgt, %jit3A_474, %sign3A_483 : i32
          %sign3A_485 = arith.extui %sign3A_484 : i1 to i32
          %sign3A_486 = arith.constant 0 : i32
          %sign3A_487 = arith.cmpi slt, %jit3A_474, %sign3A_486 : i32
          %sign3A_488 = arith.extui %sign3A_487 : i1 to i32
          %sign3A_489 = arith.subi %sign3A_485, %sign3A_488 : i32
          %ne3A_490 = arith.cmpi ne, %sign3A_482, %sign3A_489 : i32
          %rem3A_491 = arith.remsi %add3A_473, %jit3A_474 : i32
          %ne3A_492 = arith.constant 0 : i32
          %ne3A_493 = arith.cmpi ne, %rem3A_491, %ne3A_492 : i32
          %and3A_494 = arith.andi %ne3A_490, %ne3A_493 : i1
          %sub3A_495 = arith.constant 1 : i32
          %sub3A_496 = arith.subi %div3A_475, %sub3A_495 : i32
          %select_n3A_497 = arith.select %and3A_494, %sub3A_496, %div3A_475 : i32
          %jit3A_498 = arith.constant 16 : i32
          %eq3A_499 = arith.constant 0 : i32
          %eq3A_500 = arith.cmpi eq, %jit3A_498, %eq3A_499 : i32
          %jit3A_501 = arith.constant 1 : i32
          %select_n3A_502 = arith.select %eq3A_500, %jit3A_501, %jit3A_498 : i32
          %rem3A_503 = arith.remsi %add3A_473, %select_n3A_502 : i32
          %ne3A_504 = arith.constant 0 : i32
          %ne3A_505 = arith.cmpi ne, %rem3A_503, %ne3A_504 : i32
          %lt3A_506 = arith.constant 0 : i32
          %lt3A_507 = arith.cmpi slt, %rem3A_503, %lt3A_506 : i32
          %lt3A_508 = arith.constant 0 : i32
          %lt3A_509 = arith.cmpi slt, %select_n3A_502, %lt3A_508 : i32
          %ne3A_510 = arith.xori %lt3A_507, %lt3A_509 : i1
          %and3A_511 = arith.andi %ne3A_510, %ne3A_505 : i1
          %add3A_512 = arith.addi %rem3A_503, %select_n3A_502 : i32
          %select_n3A_513 = arith.select %and3A_511, %add3A_512, %rem3A_503 : i32
          %mul3A_514 = arith.constant 2 : i32
          %mul3A_515 = arith.muli %select_n3A_497, %mul3A_514 : i32
          %jit3A_516 = arith.constant 8 : i32
          %div3A_517 = arith.divsi %select_n3A_513, %jit3A_516 : i32
          %sign3A_518 = arith.constant 0 : i32
          %sign3A_519 = arith.cmpi sgt, %select_n3A_513, %sign3A_518 : i32
          %sign3A_520 = arith.extui %sign3A_519 : i1 to i32
          %sign3A_521 = arith.constant 0 : i32
          %sign3A_522 = arith.cmpi slt, %select_n3A_513, %sign3A_521 : i32
          %sign3A_523 = arith.extui %sign3A_522 : i1 to i32
          %sign3A_524 = arith.subi %sign3A_520, %sign3A_523 : i32
          %sign3A_525 = arith.constant 0 : i32
          %sign3A_526 = arith.cmpi sgt, %jit3A_516, %sign3A_525 : i32
          %sign3A_527 = arith.extui %sign3A_526 : i1 to i32
          %sign3A_528 = arith.constant 0 : i32
          %sign3A_529 = arith.cmpi slt, %jit3A_516, %sign3A_528 : i32
          %sign3A_530 = arith.extui %sign3A_529 : i1 to i32
          %sign3A_531 = arith.subi %sign3A_527, %sign3A_530 : i32
          %ne3A_532 = arith.cmpi ne, %sign3A_524, %sign3A_531 : i32
          %rem3A_533 = arith.remsi %select_n3A_513, %jit3A_516 : i32
          %ne3A_534 = arith.constant 0 : i32
          %ne3A_535 = arith.cmpi ne, %rem3A_533, %ne3A_534 : i32
          %and3A_536 = arith.andi %ne3A_532, %ne3A_535 : i1
          %sub3A_537 = arith.constant 1 : i32
          %sub3A_538 = arith.subi %div3A_517, %sub3A_537 : i32
          %select_n3A_539 = arith.select %and3A_536, %sub3A_538, %div3A_517 : i32
          %add3A_540 = arith.addi %mul3A_515, %select_n3A_539 : i32
          %jit3A_541 = arith.constant 8 : i32
          %eq3A_542 = arith.constant 0 : i32
          %eq3A_543 = arith.cmpi eq, %jit3A_541, %eq3A_542 : i32
          %jit3A_544 = arith.constant 1 : i32
          %select_n3A_545 = arith.select %eq3A_543, %jit3A_544, %jit3A_541 : i32
          %rem3A_546 = arith.remsi %select_n3A_513, %select_n3A_545 : i32
          %ne3A_547 = arith.constant 0 : i32
          %ne3A_548 = arith.cmpi ne, %rem3A_546, %ne3A_547 : i32
          %lt3A_549 = arith.constant 0 : i32
          %lt3A_550 = arith.cmpi slt, %rem3A_546, %lt3A_549 : i32
          %lt3A_551 = arith.constant 0 : i32
          %lt3A_552 = arith.cmpi slt, %select_n3A_545, %lt3A_551 : i32
          %ne3A_553 = arith.xori %lt3A_550, %lt3A_552 : i1
          %and3A_554 = arith.andi %ne3A_553, %ne3A_548 : i1
          %add3A_555 = arith.addi %rem3A_546, %select_n3A_545 : i32
          %select_n3A_556 = arith.select %and3A_554, %add3A_555, %rem3A_546 : i32
          %dma_start3A_557 = arith.constant 0 : i32
          %dma_start3A_558 = arith.constant 0 : i32
          %dma_start3A_559 = arith.constant 0 : i32
          %dma_start3A_560 = arith.constant 0 : i32
          %dma_start3A_561 = tpu.memref_slice %arg13[%dma_start3A_557, %dma_start3A_558, %dma_start3A_559, %dma_start3A_560] : memref<2x2x128x128xf32, #tpu.memory_space<vmem>> -> memref<1x1x128x128xf32, #tpu.memory_space<vmem>>
          %dma_start3A_562 = tpu.memref_squeeze %dma_start3A_561 : memref<1x1x128x128xf32, #tpu.memory_space<vmem>> -> memref<128x128xf32, #tpu.memory_space<vmem>>
          %dma_start3A_563 = arith.constant 0 : i32
          %dma_start3A_564 = arith.constant 0 : i32
          %dma_start3A_565 = tpu.memref_slice %arg4[%add3A_540, %dma_start3A_563, %select_n3A_556, %dma_start3A_564] : memref<100x128x8x128xf32, #tpu.memory_space<hbm>> -> memref<1x128x1x128xf32, #tpu.memory_space<hbm>>
          %dma_start3A_566 = tpu.memref_squeeze %dma_start3A_565 : memref<1x128x1x128xf32, #tpu.memory_space<hbm>> -> memref<128x128xf32, #tpu.memory_space<hbm>>
          %dma_start3A_567 = arith.constant 0 : i32
          %dma_start3A_568 = arith.constant 0 : i32
          %dma_start3A_569 = tpu.memref_slice %arg13[%dma_start3A_557, %dma_start3A_558, %dma_start3A_567, %dma_start3A_568] : memref<2x2x128x128xf32, #tpu.memory_space<vmem>> -> memref<1x1x128x128xf32, #tpu.memory_space<vmem>>
          %dma_start3A_570 = tpu.memref_squeeze %dma_start3A_569 : memref<1x1x128x128xf32, #tpu.memory_space<vmem>> -> memref<128x128xf32, #tpu.memory_space<vmem>>
          %dma_start3A_571 = arith.constant 0 : i32
          %dma_start3A_572 = arith.constant 0 : i32
          %dma_start3A_573 = tpu.memref_slice %arg4[%add3A_540, %dma_start3A_571, %select_n3A_556, %dma_start3A_572] : memref<100x128x8x128xf32, #tpu.memory_space<hbm>> -> memref<1x128x1x128xf32, #tpu.memory_space<hbm>>
          %dma_start3A_574 = tpu.memref_squeeze %dma_start3A_573 : memref<1x128x1x128xf32, #tpu.memory_space<hbm>> -> memref<128x128xf32, #tpu.memory_space<hbm>>
          tpu.enqueue_dma source(%dma_start3A_574 : memref<128x128xf32, #tpu.memory_space<hbm>>) target(%dma_start3A_570 : memref<128x128xf32, #tpu.memory_space<vmem>>) target_semaphore(%arg16 : memref<!tpu.dma_semaphore, #tpu.memory_space<semaphore_mem>>)
          %dma_start3A_575 = arith.constant 0 : i32
          %dma_start3A_576 = arith.constant 1 : i32
          %dma_start3A_577 = arith.constant 0 : i32
          %dma_start3A_578 = arith.constant 0 : i32
          %dma_start3A_579 = tpu.memref_slice %arg13[%dma_start3A_575, %dma_start3A_576, %dma_start3A_577, %dma_start3A_578] : memref<2x2x128x128xf32, #tpu.memory_space<vmem>> -> memref<1x1x128x128xf32, #tpu.memory_space<vmem>>
          %dma_start3A_580 = tpu.memref_squeeze %dma_start3A_579 : memref<1x1x128x128xf32, #tpu.memory_space<vmem>> -> memref<128x128xf32, #tpu.memory_space<vmem>>
          %dma_start3A_581 = arith.constant 0 : i32
          %dma_start3A_582 = arith.constant 0 : i32
          %dma_start3A_583 = tpu.memref_slice %arg5[%add3A_540, %dma_start3A_581, %select_n3A_556, %dma_start3A_582] : memref<100x128x8x128xf32, #tpu.memory_space<hbm>> -> memref<1x128x1x128xf32, #tpu.memory_space<hbm>>
          %dma_start3A_584 = tpu.memref_squeeze %dma_start3A_583 : memref<1x128x1x128xf32, #tpu.memory_space<hbm>> -> memref<128x128xf32, #tpu.memory_space<hbm>>
          %dma_start3A_585 = arith.constant 0 : i32
          %dma_start3A_586 = arith.constant 0 : i32
          %dma_start3A_587 = tpu.memref_slice %arg13[%dma_start3A_575, %dma_start3A_576, %dma_start3A_585, %dma_start3A_586] : memref<2x2x128x128xf32, #tpu.memory_space<vmem>> -> memref<1x1x128x128xf32, #tpu.memory_space<vmem>>
          %dma_start3A_588 = tpu.memref_squeeze %dma_start3A_587 : memref<1x1x128x128xf32, #tpu.memory_space<vmem>> -> memref<128x128xf32, #tpu.memory_space<vmem>>
          %dma_start3A_589 = arith.constant 0 : i32
          %dma_start3A_590 = arith.constant 0 : i32
          %dma_start3A_591 = tpu.memref_slice %arg5[%add3A_540, %dma_start3A_589, %select_n3A_556, %dma_start3A_590] : memref<100x128x8x128xf32, #tpu.memory_space<hbm>> -> memref<1x128x1x128xf32, #tpu.memory_space<hbm>>
          %dma_start3A_592 = tpu.memref_squeeze %dma_start3A_591 : memref<1x128x1x128xf32, #tpu.memory_space<hbm>> -> memref<128x128xf32, #tpu.memory_space<hbm>>
          tpu.enqueue_dma source(%dma_start3A_592 : memref<128x128xf32, #tpu.memory_space<hbm>>) target(%dma_start3A_588 : memref<128x128xf32, #tpu.memory_space<vmem>>) target_semaphore(%arg16 : memref<!tpu.dma_semaphore, #tpu.memory_space<semaphore_mem>>)
        } else {
        }
        %jit3A_254 = arith.constant 16 : i32
        %div3A_255 = arith.divsi %add3A_235, %jit3A_254 : i32
        %sign3A_256 = arith.constant 0 : i32
        %sign3A_257 = arith.cmpi sgt, %add3A_235, %sign3A_256 : i32
        %sign3A_258 = arith.extui %sign3A_257 : i1 to i32
        %sign3A_259 = arith.constant 0 : i32
        %sign3A_260 = arith.cmpi slt, %add3A_235, %sign3A_259 : i32
        %sign3A_261 = arith.extui %sign3A_260 : i1 to i32
        %sign3A_262 = arith.subi %sign3A_258, %sign3A_261 : i32
        %sign3A_263 = arith.constant 0 : i32
        %sign3A_264 = arith.cmpi sgt, %jit3A_254, %sign3A_263 : i32
        %sign3A_265 = arith.extui %sign3A_264 : i1 to i32
        %sign3A_266 = arith.constant 0 : i32
        %sign3A_267 = arith.cmpi slt, %jit3A_254, %sign3A_266 : i32
        %sign3A_268 = arith.extui %sign3A_267 : i1 to i32
        %sign3A_269 = arith.subi %sign3A_265, %sign3A_268 : i32
        %ne3A_270 = arith.cmpi ne, %sign3A_262, %sign3A_269 : i32
        %rem3A_271 = arith.remsi %add3A_235, %jit3A_254 : i32
        %ne3A_272 = arith.constant 0 : i32
        %ne3A_273 = arith.cmpi ne, %rem3A_271, %ne3A_272 : i32
        %and3A_274 = arith.andi %ne3A_270, %ne3A_273 : i1
        %sub3A_275 = arith.constant 1 : i32
        %sub3A_276 = arith.subi %div3A_255, %sub3A_275 : i32
        %select_n3A_277 = arith.select %and3A_274, %sub3A_276, %div3A_255 : i32
        %jit3A_278 = arith.constant 16 : i32
        %eq3A_279 = arith.constant 0 : i32
        %eq3A_280 = arith.cmpi eq, %jit3A_278, %eq3A_279 : i32
        %jit3A_281 = arith.constant 1 : i32
        %select_n3A_282 = arith.select %eq3A_280, %jit3A_281, %jit3A_278 : i32
        %rem3A_283 = arith.remsi %add3A_235, %select_n3A_282 : i32
        %ne3A_284 = arith.constant 0 : i32
        %ne3A_285 = arith.cmpi ne, %rem3A_283, %ne3A_284 : i32
        %lt3A_286 = arith.constant 0 : i32
        %lt3A_287 = arith.cmpi slt, %rem3A_283, %lt3A_286 : i32
        %lt3A_288 = arith.constant 0 : i32
        %lt3A_289 = arith.cmpi slt, %select_n3A_282, %lt3A_288 : i32
        %ne3A_290 = arith.xori %lt3A_287, %lt3A_289 : i1
        %and3A_291 = arith.andi %ne3A_290, %ne3A_285 : i1
        %add3A_292 = arith.addi %rem3A_283, %select_n3A_282 : i32
        %select_n3A_293 = arith.select %and3A_291, %add3A_292, %rem3A_283 : i32
        %mul3A_294 = arith.constant 2 : i32
        %mul3A_295 = arith.muli %select_n3A_277, %mul3A_294 : i32
        %jit3A_296 = arith.constant 8 : i32
        %div3A_297 = arith.divsi %select_n3A_293, %jit3A_296 : i32
        %sign3A_298 = arith.constant 0 : i32
        %sign3A_299 = arith.cmpi sgt, %select_n3A_293, %sign3A_298 : i32
        %sign3A_300 = arith.extui %sign3A_299 : i1 to i32
        %sign3A_301 = arith.constant 0 : i32
        %sign3A_302 = arith.cmpi slt, %select_n3A_293, %sign3A_301 : i32
        %sign3A_303 = arith.extui %sign3A_302 : i1 to i32
        %sign3A_304 = arith.subi %sign3A_300, %sign3A_303 : i32
        %sign3A_305 = arith.constant 0 : i32
        %sign3A_306 = arith.cmpi sgt, %jit3A_296, %sign3A_305 : i32
        %sign3A_307 = arith.extui %sign3A_306 : i1 to i32
        %sign3A_308 = arith.constant 0 : i32
        %sign3A_309 = arith.cmpi slt, %jit3A_296, %sign3A_308 : i32
        %sign3A_310 = arith.extui %sign3A_309 : i1 to i32
        %sign3A_311 = arith.subi %sign3A_307, %sign3A_310 : i32
        %ne3A_312 = arith.cmpi ne, %sign3A_304, %sign3A_311 : i32
        %rem3A_313 = arith.remsi %select_n3A_293, %jit3A_296 : i32
        %ne3A_314 = arith.constant 0 : i32
        %ne3A_315 = arith.cmpi ne, %rem3A_313, %ne3A_314 : i32
        %and3A_316 = arith.andi %ne3A_312, %ne3A_315 : i1
        %sub3A_317 = arith.constant 1 : i32
        %sub3A_318 = arith.subi %div3A_297, %sub3A_317 : i32
        %select_n3A_319 = arith.select %and3A_316, %sub3A_318, %div3A_297 : i32
        %add3A_320 = arith.addi %mul3A_295, %select_n3A_319 : i32
        %jit3A_321 = arith.constant 8 : i32
        %eq3A_322 = arith.constant 0 : i32
        %eq3A_323 = arith.cmpi eq, %jit3A_321, %eq3A_322 : i32
        %jit3A_324 = arith.constant 1 : i32
        %select_n3A_325 = arith.select %eq3A_323, %jit3A_324, %jit3A_321 : i32
        %rem3A_326 = arith.remsi %select_n3A_293, %select_n3A_325 : i32
        %ne3A_327 = arith.constant 0 : i32
        %ne3A_328 = arith.cmpi ne, %rem3A_326, %ne3A_327 : i32
        %lt3A_329 = arith.constant 0 : i32
        %lt3A_330 = arith.cmpi slt, %rem3A_326, %lt3A_329 : i32
        %lt3A_331 = arith.constant 0 : i32
        %lt3A_332 = arith.cmpi slt, %select_n3A_325, %lt3A_331 : i32
        %ne3A_333 = arith.xori %lt3A_330, %lt3A_332 : i1
        %and3A_334 = arith.andi %ne3A_333, %ne3A_328 : i1
        %add3A_335 = arith.addi %rem3A_326, %select_n3A_325 : i32
        %select_n3A_336 = arith.select %and3A_334, %add3A_335, %rem3A_326 : i32
        %dma_wait3A_337 = arith.constant 1 : i32
        %dma_wait3A_338 = arith.constant 0 : i32
        %dma_wait3A_339 = arith.constant 0 : i32
        %dma_wait3A_340 = arith.constant 0 : i32
        %dma_wait3A_341 = tpu.memref_slice %arg13[%dma_wait3A_337, %dma_wait3A_338, %dma_wait3A_339, %dma_wait3A_340] : memref<2x2x128x128xf32, #tpu.memory_space<vmem>> -> memref<1x1x128x128xf32, #tpu.memory_space<vmem>>
        %dma_wait3A_342 = tpu.memref_squeeze %dma_wait3A_341 : memref<1x1x128x128xf32, #tpu.memory_space<vmem>> -> memref<128x128xf32, #tpu.memory_space<vmem>>
        %dma_wait3A_343 = arith.constant 0 : i32
        %dma_wait3A_344 = arith.constant 0 : i32
        %dma_wait3A_345 = tpu.memref_slice %arg4[%add3A_320, %dma_wait3A_343, %select_n3A_336, %dma_wait3A_344] : memref<100x128x8x128xf32, #tpu.memory_space<hbm>> -> memref<1x128x1x128xf32, #tpu.memory_space<hbm>>
        %dma_wait3A_346 = tpu.memref_squeeze %dma_wait3A_345 : memref<1x128x1x128xf32, #tpu.memory_space<hbm>> -> memref<128x128xf32, #tpu.memory_space<hbm>>
        %dma_wait3A_347 = arith.constant 0 : i32
        %dma_wait3A_348 = arith.constant 0 : i32
        %dma_wait3A_349 = tpu.memref_slice %arg13[%dma_wait3A_337, %dma_wait3A_338, %dma_wait3A_347, %dma_wait3A_348] : memref<2x2x128x128xf32, #tpu.memory_space<vmem>> -> memref<1x1x128x128xf32, #tpu.memory_space<vmem>>
        %dma_wait3A_350 = tpu.memref_squeeze %dma_wait3A_349 : memref<1x1x128x128xf32, #tpu.memory_space<vmem>> -> memref<128x128xf32, #tpu.memory_space<vmem>>
        %dma_wait3A_351 = arith.constant 0 : i32
        %dma_wait3A_352 = arith.constant 0 : i32
        %dma_wait3A_353 = tpu.memref_slice %arg4[%add3A_320, %dma_wait3A_351, %select_n3A_336, %dma_wait3A_352] : memref<100x128x8x128xf32, #tpu.memory_space<hbm>> -> memref<1x128x1x128xf32, #tpu.memory_space<hbm>>
        %dma_wait3A_354 = tpu.memref_squeeze %dma_wait3A_353 : memref<1x128x1x128xf32, #tpu.memory_space<hbm>> -> memref<128x128xf32, #tpu.memory_space<hbm>>
        tpu.wait_dma2 semaphore(%arg17 : memref<!tpu.dma_semaphore, #tpu.memory_space<semaphore_mem>>) src(%dma_wait3A_354 : memref<128x128xf32, #tpu.memory_space<hbm>>) dst(%dma_wait3A_350 : memref<128x128xf32, #tpu.memory_space<vmem>>)
        %dma_wait3A_355 = arith.constant 1 : i32
        %dma_wait3A_356 = arith.constant 1 : i32
        %dma_wait3A_357 = arith.constant 0 : i32
        %dma_wait3A_358 = arith.constant 0 : i32
        %dma_wait3A_359 = tpu.memref_slice %arg13[%dma_wait3A_355, %dma_wait3A_356, %dma_wait3A_357, %dma_wait3A_358] : memref<2x2x128x128xf32, #tpu.memory_space<vmem>> -> memref<1x1x128x128xf32, #tpu.memory_space<vmem>>
        %dma_wait3A_360 = tpu.memref_squeeze %dma_wait3A_359 : memref<1x1x128x128xf32, #tpu.memory_space<vmem>> -> memref<128x128xf32, #tpu.memory_space<vmem>>
        %dma_wait3A_361 = arith.constant 0 : i32
        %dma_wait3A_362 = arith.constant 0 : i32
        %dma_wait3A_363 = tpu.memref_slice %arg5[%add3A_320, %dma_wait3A_361, %select_n3A_336, %dma_wait3A_362] : memref<100x128x8x128xf32, #tpu.memory_space<hbm>> -> memref<1x128x1x128xf32, #tpu.memory_space<hbm>>
        %dma_wait3A_364 = tpu.memref_squeeze %dma_wait3A_363 : memref<1x128x1x128xf32, #tpu.memory_space<hbm>> -> memref<128x128xf32, #tpu.memory_space<hbm>>
        %dma_wait3A_365 = arith.constant 0 : i32
        %dma_wait3A_366 = arith.constant 0 : i32
        %dma_wait3A_367 = tpu.memref_slice %arg13[%dma_wait3A_355, %dma_wait3A_356, %dma_wait3A_365, %dma_wait3A_366] : memref<2x2x128x128xf32, #tpu.memory_space<vmem>> -> memref<1x1x128x128xf32, #tpu.memory_space<vmem>>
        %dma_wait3A_368 = tpu.memref_squeeze %dma_wait3A_367 : memref<1x1x128x128xf32, #tpu.memory_space<vmem>> -> memref<128x128xf32, #tpu.memory_space<vmem>>
        %dma_wait3A_369 = arith.constant 0 : i32
        %dma_wait3A_370 = arith.constant 0 : i32
        %dma_wait3A_371 = tpu.memref_slice %arg5[%add3A_320, %dma_wait3A_369, %select_n3A_336, %dma_wait3A_370] : memref<100x128x8x128xf32, #tpu.memory_space<hbm>> -> memref<1x128x1x128xf32, #tpu.memory_space<hbm>>
        %dma_wait3A_372 = tpu.memref_squeeze %dma_wait3A_371 : memref<1x128x1x128xf32, #tpu.memory_space<hbm>> -> memref<128x128xf32, #tpu.memory_space<hbm>>
        tpu.wait_dma2 semaphore(%arg17 : memref<!tpu.dma_semaphore, #tpu.memory_space<semaphore_mem>>) src(%dma_wait3A_372 : memref<128x128xf32, #tpu.memory_space<hbm>>) dst(%dma_wait3A_368 : memref<128x128xf32, #tpu.memory_space<vmem>>)
        %ge3A = arith.constant 1 : i32
        %ge3A_373 = arith.cmpi sge, %scan3A_231, %ge3A : i32
        %convert_element_type3A_374 = arith.extui %ge3A_373 : i1 to i32
        %cond3A_375 = arith.constant 0 : i32
        %cond3A_376 = arith.cmpi ne, %convert_element_type3A_374, %cond3A_375 : i32
        scf.if %cond3A_376 {
          %sub3A_472 = arith.constant 32 : i32
          %sub3A_473 = arith.subi %add3A_235, %sub3A_472 : i32
          %jit3A_474 = arith.constant 16 : i32
          %div3A_475 = arith.divsi %sub3A_473, %jit3A_474 : i32
          %sign3A_476 = arith.constant 0 : i32
          %sign3A_477 = arith.cmpi sgt, %sub3A_473, %sign3A_476 : i32
          %sign3A_478 = arith.extui %sign3A_477 : i1 to i32
          %sign3A_479 = arith.constant 0 : i32
          %sign3A_480 = arith.cmpi slt, %sub3A_473, %sign3A_479 : i32
          %sign3A_481 = arith.extui %sign3A_480 : i1 to i32
          %sign3A_482 = arith.subi %sign3A_478, %sign3A_481 : i32
          %sign3A_483 = arith.constant 0 : i32
          %sign3A_484 = arith.cmpi sgt, %jit3A_474, %sign3A_483 : i32
          %sign3A_485 = arith.extui %sign3A_484 : i1 to i32
          %sign3A_486 = arith.constant 0 : i32
          %sign3A_487 = arith.cmpi slt, %jit3A_474, %sign3A_486 : i32
          %sign3A_488 = arith.extui %sign3A_487 : i1 to i32
          %sign3A_489 = arith.subi %sign3A_485, %sign3A_488 : i32
          %ne3A_490 = arith.cmpi ne, %sign3A_482, %sign3A_489 : i32
          %rem3A_491 = arith.remsi %sub3A_473, %jit3A_474 : i32
          %ne3A_492 = arith.constant 0 : i32
          %ne3A_493 = arith.cmpi ne, %rem3A_491, %ne3A_492 : i32
          %and3A_494 = arith.andi %ne3A_490, %ne3A_493 : i1
          %sub3A_495 = arith.constant 1 : i32
          %sub3A_496 = arith.subi %div3A_475, %sub3A_495 : i32
          %select_n3A_497 = arith.select %and3A_494, %sub3A_496, %div3A_475 : i32
          %jit3A_498 = arith.constant 16 : i32
          %eq3A_499 = arith.constant 0 : i32
          %eq3A_500 = arith.cmpi eq, %jit3A_498, %eq3A_499 : i32
          %jit3A_501 = arith.constant 1 : i32
          %select_n3A_502 = arith.select %eq3A_500, %jit3A_501, %jit3A_498 : i32
          %rem3A_503 = arith.remsi %sub3A_473, %select_n3A_502 : i32
          %ne3A_504 = arith.constant 0 : i32
          %ne3A_505 = arith.cmpi ne, %rem3A_503, %ne3A_504 : i32
          %lt3A_506 = arith.constant 0 : i32
          %lt3A_507 = arith.cmpi slt, %rem3A_503, %lt3A_506 : i32
          %lt3A_508 = arith.constant 0 : i32
          %lt3A_509 = arith.cmpi slt, %select_n3A_502, %lt3A_508 : i32
          %ne3A_510 = arith.xori %lt3A_507, %lt3A_509 : i1
          %and3A_511 = arith.andi %ne3A_510, %ne3A_505 : i1
          %add3A_512 = arith.addi %rem3A_503, %select_n3A_502 : i32
          %select_n3A_513 = arith.select %and3A_511, %add3A_512, %rem3A_503 : i32
          %mul3A_514 = arith.constant 2 : i32
          %mul3A_515 = arith.muli %select_n3A_497, %mul3A_514 : i32
          %jit3A_516 = arith.constant 8 : i32
          %div3A_517 = arith.divsi %select_n3A_513, %jit3A_516 : i32
          %sign3A_518 = arith.constant 0 : i32
          %sign3A_519 = arith.cmpi sgt, %select_n3A_513, %sign3A_518 : i32
          %sign3A_520 = arith.extui %sign3A_519 : i1 to i32
          %sign3A_521 = arith.constant 0 : i32
          %sign3A_522 = arith.cmpi slt, %select_n3A_513, %sign3A_521 : i32
          %sign3A_523 = arith.extui %sign3A_522 : i1 to i32
          %sign3A_524 = arith.subi %sign3A_520, %sign3A_523 : i32
          %sign3A_525 = arith.constant 0 : i32
          %sign3A_526 = arith.cmpi sgt, %jit3A_516, %sign3A_525 : i32
          %sign3A_527 = arith.extui %sign3A_526 : i1 to i32
          %sign3A_528 = arith.constant 0 : i32
          %sign3A_529 = arith.cmpi slt, %jit3A_516, %sign3A_528 : i32
          %sign3A_530 = arith.extui %sign3A_529 : i1 to i32
          %sign3A_531 = arith.subi %sign3A_527, %sign3A_530 : i32
          %ne3A_532 = arith.cmpi ne, %sign3A_524, %sign3A_531 : i32
          %rem3A_533 = arith.remsi %select_n3A_513, %jit3A_516 : i32
          %ne3A_534 = arith.constant 0 : i32
          %ne3A_535 = arith.cmpi ne, %rem3A_533, %ne3A_534 : i32
          %and3A_536 = arith.andi %ne3A_532, %ne3A_535 : i1
          %sub3A_537 = arith.constant 1 : i32
          %sub3A_538 = arith.subi %div3A_517, %sub3A_537 : i32
          %select_n3A_539 = arith.select %and3A_536, %sub3A_538, %div3A_517 : i32
          %add3A_540 = arith.addi %mul3A_515, %select_n3A_539 : i32
          %jit3A_541 = arith.constant 8 : i32
          %eq3A_542 = arith.constant 0 : i32
          %eq3A_543 = arith.cmpi eq, %jit3A_541, %eq3A_542 : i32
          %jit3A_544 = arith.constant 1 : i32
          %select_n3A_545 = arith.select %eq3A_543, %jit3A_544, %jit3A_541 : i32
          %rem3A_546 = arith.remsi %select_n3A_513, %select_n3A_545 : i32
          %ne3A_547 = arith.constant 0 : i32
          %ne3A_548 = arith.cmpi ne, %rem3A_546, %ne3A_547 : i32
          %lt3A_549 = arith.constant 0 : i32
          %lt3A_550 = arith.cmpi slt, %rem3A_546, %lt3A_549 : i32
          %lt3A_551 = arith.constant 0 : i32
          %lt3A_552 = arith.cmpi slt, %select_n3A_545, %lt3A_551 : i32
          %ne3A_553 = arith.xori %lt3A_550, %lt3A_552 : i1
          %and3A_554 = arith.andi %ne3A_553, %ne3A_548 : i1
          %add3A_555 = arith.addi %rem3A_546, %select_n3A_545 : i32
          %select_n3A_556 = arith.select %and3A_554, %add3A_555, %rem3A_546 : i32
          %dma_wait3A_557 = arith.constant 0 : i32
          %dma_wait3A_558 = arith.constant 0 : i32
          %dma_wait3A_559 = tpu.memref_slice %arg9[%add3A_540, %dma_wait3A_557, %select_n3A_556, %dma_wait3A_558] : memref<100x128x8x128xf32, #tpu.memory_space<hbm>> -> memref<1x128x1x128xf32, #tpu.memory_space<hbm>>
          %dma_wait3A_560 = tpu.memref_squeeze %dma_wait3A_559 : memref<1x128x1x128xf32, #tpu.memory_space<hbm>> -> memref<128x128xf32, #tpu.memory_space<hbm>>
          %dma_wait3A_561 = arith.constant 0 : i32
          %dma_wait3A_562 = arith.constant 0 : i32
          %dma_wait3A_563 = tpu.memref_slice %arg9[%add3A_540, %dma_wait3A_561, %select_n3A_556, %dma_wait3A_562] : memref<100x128x8x128xf32, #tpu.memory_space<hbm>> -> memref<1x128x1x128xf32, #tpu.memory_space<hbm>>
          %dma_wait3A_564 = tpu.memref_squeeze %dma_wait3A_563 : memref<1x128x1x128xf32, #tpu.memory_space<hbm>> -> memref<128x128xf32, #tpu.memory_space<hbm>>
          tpu.wait_dma2 semaphore(%arg18 : memref<!tpu.dma_semaphore, #tpu.memory_space<semaphore_mem>>) src(%arg14 : memref<128x128xf32, #tpu.memory_space<vmem>>) dst(%dma_wait3A_564 : memref<128x128xf32, #tpu.memory_space<hbm>>)
        } else {
        }
        %parallel_loop3A_377 = arith.constant 0 : i32
        %parallel_loop3A_378 = arith.constant 16384 : i32
        %parallel_loop3A_379 = arith.constant 16 : i32
        %parallel_loop3A_380 = arith.constant 1 : i32
        scf.for %parallel_loop3A_472 = %parallel_loop3A_377 to %parallel_loop3A_378 step %parallel_loop3A_379  : i32 {
          %parallel_loop3A_473 = arith.index_cast %parallel_loop3A_472 : i32 to index
          %parallel_loop3A_474 = tpu.vector_load %arg12[%parallel_loop3A_473] {strides = array<i32>} : memref<16384xi32, #tpu.memory_space<vmem>>, vector<16xi32>,
          %parallel_loop3A_475 = arith.constant 14 : i32
          %parallel_loop3A_476 = vector.broadcast %parallel_loop3A_475 : i32 to vector<16xi32>
          %parallel_loop3A_477 = arith.shrsi %parallel_loop3A_474, %parallel_loop3A_476 : vector<16xi32>
          %parallel_loop3A_478 = arith.constant 7 : i32
          %parallel_loop3A_479 = vector.broadcast %parallel_loop3A_478 : i32 to vector<16xi32>
          %parallel_loop3A_480 = arith.shrsi %parallel_loop3A_474, %parallel_loop3A_479 : vector<16xi32>
          %parallel_loop3A_481 = arith.constant 127 : i32
          %parallel_loop3A_482 = vector.broadcast %parallel_loop3A_481 : i32 to vector<16xi32>
          %parallel_loop3A_483 = arith.andi %parallel_loop3A_480, %parallel_loop3A_482 : vector<16xi32>
          %parallel_loop3A_484 = arith.constant 127 : i32
          %parallel_loop3A_485 = vector.broadcast %parallel_loop3A_484 : i32 to vector<16xi32>
          %parallel_loop3A_486 = arith.andi %parallel_loop3A_474, %parallel_loop3A_485 : vector<16xi32>
          %parallel_loop3A_487 = arith.constant 0 : i32
          %parallel_loop3A_488 = arith.constant 0 : i32
          %parallel_loop3A_489 = arith.constant 0 : i32
          %parallel_loop3A_490 = tpu.memref_slice %arg13[%parallel_loop3A_380, %parallel_loop3A_487, %parallel_loop3A_488, %parallel_loop3A_489] : memref<2x2x128x128xf32, #tpu.memory_space<vmem>> -> memref<1x2x128x128xf32, #tpu.memory_space<vmem>>
          %parallel_loop3A_491 = tpu.memref_squeeze %parallel_loop3A_490 : memref<1x2x128x128xf32, #tpu.memory_space<vmem>> -> memref<2x128x128xf32, #tpu.memory_space<vmem>>
          %parallel_loop3A_492 = tpu.vector_load_idx %parallel_loop3A_491[%parallel_loop3A_477, %parallel_loop3A_483, %parallel_loop3A_486] : memref<2x128x128xf32, #tpu.memory_space<vmem>>[vector<16xi32>, vector<16xi32>, vector<16xi32>], vector<16xf32>,
          %parallel_loop3A_493 = arith.constant 7 : i32
          %parallel_loop3A_494 = arith.shrsi %parallel_loop3A_472, %parallel_loop3A_493 : i32
          %parallel_loop3A_495 = arith.constant 127 : i32
          %parallel_loop3A_496 = arith.andi %parallel_loop3A_472, %parallel_loop3A_495 : i32
          %parallel_loop3A_497 = arith.index_cast %parallel_loop3A_494 : i32 to index
          %parallel_loop3A_498 = arith.index_cast %parallel_loop3A_496 : i32 to index
          %parallel_loop3A_499 = tpu.vector_load %arg14[%parallel_loop3A_497, %parallel_loop3A_498] {strides = array<i32>} : memref<128x128xf32, #tpu.memory_space<vmem>>, vector<16xf32>,
          tpu.vector_store %arg14[%parallel_loop3A_497, %parallel_loop3A_498], %parallel_loop3A_492 {strides = array<i32>} : memref<128x128xf32, #tpu.memory_space<vmem>>, vector<16xf32>,
        } {sc.loop_unroll_factor = 8 : i64, sc.parallel_access}
        %jit3A_381 = arith.constant 16 : i32
        %div3A_382 = arith.divsi %add3A_235, %jit3A_381 : i32
        %sign3A_383 = arith.constant 0 : i32
        %sign3A_384 = arith.cmpi sgt, %add3A_235, %sign3A_383 : i32
        %sign3A_385 = arith.extui %sign3A_384 : i1 to i32
        %sign3A_386 = arith.constant 0 : i32
        %sign3A_387 = arith.cmpi slt, %add3A_235, %sign3A_386 : i32
        %sign3A_388 = arith.extui %sign3A_387 : i1 to i32
        %sign3A_389 = arith.subi %sign3A_385, %sign3A_388 : i32
        %sign3A_390 = arith.constant 0 : i32
        %sign3A_391 = arith.cmpi sgt, %jit3A_381, %sign3A_390 : i32
        %sign3A_392 = arith.extui %sign3A_391 : i1 to i32
        %sign3A_393 = arith.constant 0 : i32
        %sign3A_394 = arith.cmpi slt, %jit3A_381, %sign3A_393 : i32
        %sign3A_395 = arith.extui %sign3A_394 : i1 to i32
        %sign3A_396 = arith.subi %sign3A_392, %sign3A_395 : i32
        %ne3A_397 = arith.cmpi ne, %sign3A_389, %sign3A_396 : i32
        %rem3A_398 = arith.remsi %add3A_235, %jit3A_381 : i32
        %ne3A_399 = arith.constant 0 : i32
        %ne3A_400 = arith.cmpi ne, %rem3A_398, %ne3A_399 : i32
        %and3A_401 = arith.andi %ne3A_397, %ne3A_400 : i1
        %sub3A_402 = arith.constant 1 : i32
        %sub3A_403 = arith.subi %div3A_382, %sub3A_402 : i32
        %select_n3A_404 = arith.select %and3A_401, %sub3A_403, %div3A_382 : i32
        %jit3A_405 = arith.constant 16 : i32
        %eq3A_406 = arith.constant 0 : i32
        %eq3A_407 = arith.cmpi eq, %jit3A_405, %eq3A_406 : i32
        %jit3A_408 = arith.constant 1 : i32
        %select_n3A_409 = arith.select %eq3A_407, %jit3A_408, %jit3A_405 : i32
        %rem3A_410 = arith.remsi %add3A_235, %select_n3A_409 : i32
        %ne3A_411 = arith.constant 0 : i32
        %ne3A_412 = arith.cmpi ne, %rem3A_410, %ne3A_411 : i32
        %lt3A_413 = arith.constant 0 : i32
        %lt3A_414 = arith.cmpi slt, %rem3A_410, %lt3A_413 : i32
        %lt3A_415 = arith.constant 0 : i32
        %lt3A_416 = arith.cmpi slt, %select_n3A_409, %lt3A_415 : i32
        %ne3A_417 = arith.xori %lt3A_414, %lt3A_416 : i1
        %and3A_418 = arith.andi %ne3A_417, %ne3A_412 : i1
        %add3A_419 = arith.addi %rem3A_410, %select_n3A_409 : i32
        %select_n3A_420 = arith.select %and3A_418, %add3A_419, %rem3A_410 : i32
        %mul3A_421 = arith.constant 2 : i32
        %mul3A_422 = arith.muli %select_n3A_404, %mul3A_421 : i32
        %jit3A_423 = arith.constant 8 : i32
        %div3A_424 = arith.divsi %select_n3A_420, %jit3A_423 : i32
        %sign3A_425 = arith.constant 0 : i32
        %sign3A_426 = arith.cmpi sgt, %select_n3A_420, %sign3A_425 : i32
        %sign3A_427 = arith.extui %sign3A_426 : i1 to i32
        %sign3A_428 = arith.constant 0 : i32
        %sign3A_429 = arith.cmpi slt, %select_n3A_420, %sign3A_428 : i32
        %sign3A_430 = arith.extui %sign3A_429 : i1 to i32
        %sign3A_431 = arith.subi %sign3A_427, %sign3A_430 : i32
        %sign3A_432 = arith.constant 0 : i32
        %sign3A_433 = arith.cmpi sgt, %jit3A_423, %sign3A_432 : i32
        %sign3A_434 = arith.extui %sign3A_433 : i1 to i32
        %sign3A_435 = arith.constant 0 : i32
        %sign3A_436 = arith.cmpi slt, %jit3A_423, %sign3A_435 : i32
        %sign3A_437 = arith.extui %sign3A_436 : i1 to i32
        %sign3A_438 = arith.subi %sign3A_434, %sign3A_437 : i32
        %ne3A_439 = arith.cmpi ne, %sign3A_431, %sign3A_438 : i32
        %rem3A_440 = arith.remsi %select_n3A_420, %jit3A_423 : i32
        %ne3A_441 = arith.constant 0 : i32
        %ne3A_442 = arith.cmpi ne, %rem3A_440, %ne3A_441 : i32
        %and3A_443 = arith.andi %ne3A_439, %ne3A_442 : i1
        %sub3A_444 = arith.constant 1 : i32
        %sub3A_445 = arith.subi %div3A_424, %sub3A_444 : i32
        %select_n3A_446 = arith.select %and3A_443, %sub3A_445, %div3A_424 : i32
        %add3A_447 = arith.addi %mul3A_422, %select_n3A_446 : i32
        %jit3A_448 = arith.constant 8 : i32
        %eq3A_449 = arith.constant 0 : i32
        %eq3A_450 = arith.cmpi eq, %jit3A_448, %eq3A_449 : i32
        %jit3A_451 = arith.constant 1 : i32
        %select_n3A_452 = arith.select %eq3A_450, %jit3A_451, %jit3A_448 : i32
        %rem3A_453 = arith.remsi %select_n3A_420, %select_n3A_452 : i32
        %ne3A_454 = arith.constant 0 : i32
        %ne3A_455 = arith.cmpi ne, %rem3A_453, %ne3A_454 : i32
        %lt3A_456 = arith.constant 0 : i32
        %lt3A_457 = arith.cmpi slt, %rem3A_453, %lt3A_456 : i32
        %lt3A_458 = arith.constant 0 : i32
        %lt3A_459 = arith.cmpi slt, %select_n3A_452, %lt3A_458 : i32
        %ne3A_460 = arith.xori %lt3A_457, %lt3A_459 : i1
        %and3A_461 = arith.andi %ne3A_460, %ne3A_455 : i1
        %add3A_462 = arith.addi %rem3A_453, %select_n3A_452 : i32
        %select_n3A_463 = arith.select %and3A_461, %add3A_462, %rem3A_453 : i32
        %dma_start3A_464 = arith.constant 0 : i32
        %dma_start3A_465 = arith.constant 0 : i32
        %dma_start3A_466 = tpu.memref_slice %arg9[%add3A_447, %dma_start3A_464, %select_n3A_463, %dma_start3A_465] : memref<100x128x8x128xf32, #tpu.memory_space<hbm>> -> memref<1x128x1x128xf32, #tpu.memory_space<hbm>>
        %dma_start3A_467 = tpu.memref_squeeze %dma_start3A_466 : memref<1x128x1x128xf32, #tpu.memory_space<hbm>> -> memref<128x128xf32, #tpu.memory_space<hbm>>
        %dma_start3A_468 = arith.constant 0 : i32
        %dma_start3A_469 = arith.constant 0 : i32
        %dma_start3A_470 = tpu.memref_slice %arg9[%add3A_447, %dma_start3A_468, %select_n3A_463, %dma_start3A_469] : memref<100x128x8x128xf32, #tpu.memory_space<hbm>> -> memref<1x128x1x128xf32, #tpu.memory_space<hbm>>
        %dma_start3A_471 = tpu.memref_squeeze %dma_start3A_470 : memref<1x128x1x128xf32, #tpu.memory_space<hbm>> -> memref<128x128xf32, #tpu.memory_space<hbm>>
        tpu.enqueue_dma source(%arg14 : memref<128x128xf32, #tpu.memory_space<vmem>>) target(%dma_start3A_471 : memref<128x128xf32, #tpu.memory_space<hbm>>) target_semaphore(%arg18 : memref<!tpu.dma_semaphore, #tpu.memory_space<semaphore_mem>>)
      } else {
      }
      %scan3A_246 = arith.constant 0 : i32
      scf.yield %scan3A_246 : i32
    }
    %scan3A_138 = arith.constant 25 : i32
    %add3A_139 = arith.constant 768 : i32
    %add3A_140 = arith.addi %add3A, %add3A_139 : i32
    %jit3A_141 = arith.constant 16 : i32
    %div3A_142 = arith.divsi %add3A_140, %jit3A_141 : i32
    %sign3A_143 = arith.constant 0 : i32
    %sign3A_144 = arith.cmpi sgt, %add3A_140, %sign3A_143 : i32
    %sign3A_145 = arith.extui %sign3A_144 : i1 to i32
    %sign3A_146 = arith.constant 0 : i32
    %sign3A_147 = arith.cmpi slt, %add3A_140, %sign3A_146 : i32
    %sign3A_148 = arith.extui %sign3A_147 : i1 to i32
    %sign3A_149 = arith.subi %sign3A_145, %sign3A_148 : i32
    %sign3A_150 = arith.constant 0 : i32
    %sign3A_151 = arith.cmpi sgt, %jit3A_141, %sign3A_150 : i32
    %sign3A_152 = arith.extui %sign3A_151 : i1 to i32
    %sign3A_153 = arith.constant 0 : i32
    %sign3A_154 = arith.cmpi slt, %jit3A_141, %sign3A_153 : i32
    %sign3A_155 = arith.extui %sign3A_154 : i1 to i32
    %sign3A_156 = arith.subi %sign3A_152, %sign3A_155 : i32
    %ne3A_157 = arith.cmpi ne, %sign3A_149, %sign3A_156 : i32
    %rem3A_158 = arith.remsi %add3A_140, %jit3A_141 : i32
    %ne3A_159 = arith.constant 0 : i32
    %ne3A_160 = arith.cmpi ne, %rem3A_158, %ne3A_159 : i32
    %and3A_161 = arith.andi %ne3A_157, %ne3A_160 : i1
    %sub3A_162 = arith.constant 1 : i32
    %sub3A_163 = arith.subi %div3A_142, %sub3A_162 : i32
    %select_n3A_164 = arith.select %and3A_161, %sub3A_163, %div3A_142 : i32
    %jit3A_165 = arith.constant 16 : i32
    %eq3A_166 = arith.constant 0 : i32
    %eq3A_167 = arith.cmpi eq, %jit3A_165, %eq3A_166 : i32
    %jit3A_168 = arith.constant 1 : i32
    %select_n3A_169 = arith.select %eq3A_167, %jit3A_168, %jit3A_165 : i32
    %rem3A_170 = arith.remsi %add3A_140, %select_n3A_169 : i32
    %ne3A_171 = arith.constant 0 : i32
    %ne3A_172 = arith.cmpi ne, %rem3A_170, %ne3A_171 : i32
    %lt3A_173 = arith.constant 0 : i32
    %lt3A_174 = arith.cmpi slt, %rem3A_170, %lt3A_173 : i32
    %lt3A_175 = arith.constant 0 : i32
    %lt3A_176 = arith.cmpi slt, %select_n3A_169, %lt3A_175 : i32
    %ne3A_177 = arith.xori %lt3A_174, %lt3A_176 : i1
    %and3A_178 = arith.andi %ne3A_177, %ne3A_172 : i1
    %add3A_179 = arith.addi %rem3A_170, %select_n3A_169 : i32
    %select_n3A_180 = arith.select %and3A_178, %add3A_179, %rem3A_170 : i32
    %mul3A_181 = arith.constant 2 : i32
    %mul3A_182 = arith.muli %select_n3A_164, %mul3A_181 : i32
    %jit3A_183 = arith.constant 8 : i32
    %div3A_184 = arith.divsi %select_n3A_180, %jit3A_183 : i32
    %sign3A_185 = arith.constant 0 : i32
    %sign3A_186 = arith.cmpi sgt, %select_n3A_180, %sign3A_185 : i32
    %sign3A_187 = arith.extui %sign3A_186 : i1 to i32
    %sign3A_188 = arith.constant 0 : i32
    %sign3A_189 = arith.cmpi slt, %select_n3A_180, %sign3A_188 : i32
    %sign3A_190 = arith.extui %sign3A_189 : i1 to i32
    %sign3A_191 = arith.subi %sign3A_187, %sign3A_190 : i32
    %sign3A_192 = arith.constant 0 : i32
    %sign3A_193 = arith.cmpi sgt, %jit3A_183, %sign3A_192 : i32
    %sign3A_194 = arith.extui %sign3A_193 : i1 to i32
    %sign3A_195 = arith.constant 0 : i32
    %sign3A_196 = arith.cmpi slt, %jit3A_183, %sign3A_195 : i32
    %sign3A_197 = arith.extui %sign3A_196 : i1 to i32
    %sign3A_198 = arith.subi %sign3A_194, %sign3A_197 : i32
    %ne3A_199 = arith.cmpi ne, %sign3A_191, %sign3A_198 : i32
    %rem3A_200 = arith.remsi %select_n3A_180, %jit3A_183 : i32
    %ne3A_201 = arith.constant 0 : i32
    %ne3A_202 = arith.cmpi ne, %rem3A_200, %ne3A_201 : i32
    %and3A_203 = arith.andi %ne3A_199, %ne3A_202 : i1
    %sub3A_204 = arith.constant 1 : i32
    %sub3A_205 = arith.subi %div3A_184, %sub3A_204 : i32
    %select_n3A_206 = arith.select %and3A_203, %sub3A_205, %div3A_184 : i32
    %add3A_207 = arith.addi %mul3A_182, %select_n3A_206 : i32
    %jit3A_208 = arith.constant 8 : i32
    %eq3A_209 = arith.constant 0 : i32
    %eq3A_210 = arith.cmpi eq, %jit3A_208, %eq3A_209 : i32
    %jit3A_211 = arith.constant 1 : i32
    %select_n3A_212 = arith.select %eq3A_210, %jit3A_211, %jit3A_208 : i32
    %rem3A_213 = arith.remsi %select_n3A_180, %select_n3A_212 : i32
    %ne3A_214 = arith.constant 0 : i32
    %ne3A_215 = arith.cmpi ne, %rem3A_213, %ne3A_214 : i32
    %lt3A_216 = arith.constant 0 : i32
    %lt3A_217 = arith.cmpi slt, %rem3A_213, %lt3A_216 : i32
    %lt3A_218 = arith.constant 0 : i32
    %lt3A_219 = arith.cmpi slt, %select_n3A_212, %lt3A_218 : i32
    %ne3A_220 = arith.xori %lt3A_217, %lt3A_219 : i1
    %and3A_221 = arith.andi %ne3A_220, %ne3A_215 : i1
    %add3A_222 = arith.addi %rem3A_213, %select_n3A_212 : i32
    %select_n3A_223 = arith.select %and3A_221, %add3A_222, %rem3A_213 : i32
    %dma_wait3A = arith.constant 0 : i32
    %dma_wait3A_224 = arith.constant 0 : i32
    %dma_wait3A_225 = tpu.memref_slice %arg9[%add3A_207, %dma_wait3A, %select_n3A_223, %dma_wait3A_224] : memref<100x128x8x128xf32, #tpu.memory_space<hbm>> -> memref<1x128x1x128xf32, #tpu.memory_space<hbm>>
    %dma_wait3A_226 = tpu.memref_squeeze %dma_wait3A_225 : memref<1x128x1x128xf32, #tpu.memory_space<hbm>> -> memref<128x128xf32, #tpu.memory_space<hbm>>
    %dma_wait3A_227 = arith.constant 0 : i32
    %dma_wait3A_228 = arith.constant 0 : i32
    %dma_wait3A_229 = tpu.memref_slice %arg9[%add3A_207, %dma_wait3A_227, %select_n3A_223, %dma_wait3A_228] : memref<100x128x8x128xf32, #tpu.memory_space<hbm>> -> memref<1x128x1x128xf32, #tpu.memory_space<hbm>>
    %dma_wait3A_230 = tpu.memref_squeeze %dma_wait3A_229 : memref<1x128x1x128xf32, #tpu.memory_space<hbm>> -> memref<128x128xf32, #tpu.memory_space<hbm>>
    tpu.wait_dma2 semaphore(%arg18 : memref<!tpu.dma_semaphore, #tpu.memory_space<semaphore_mem>>) src(%arg14 : memref<128x128xf32, #tpu.memory_space<vmem>>) dst(%dma_wait3A_230 : memref<128x128xf32, #tpu.memory_space<hbm>>)
    return
  }
}

</mosaic_0001>

<sc_bundles>
// kernel: kernel.3.cloned.1.call-start
scs
__scs_entry_jumppad:
0x0: {  	(pc) =	sbr.rel $0x88, $3  }
0x1: {  	(tag) =	ssettag $0x0;
	lr =	simm.s32 $0x1  }
0x2: {  	[smem:$0x3F9B] =	sst lr;
	_ =	strace $0xD0000000  }
0x3: {  	_ = 	snop  }
0x4: {  	_ = 	snop  }
0x5: {  	_ = 	snop  }
0x6: {  	_ = 	snop  }
0x7: {  	_ = 	snop  }
__scs_overlays_trampoline_lowered:
0x8: {  	[smem:$0x3FAA] =	sst s0  }
0x9: {  	[smem:$0x3FAB] =	sst s1  }
0xa: {  	[smem:$0x3FAC] =	sst s2  }
0xb: {  	[smem:$0x3FAD] =	sst s3  }
0xc: {  	[smem:$0x3FAE] =	sst s4  }
0xd: {  	[smem:$0x3FAF] =	sst s5  }
0xe: {  	[smem:$0x3FB0] =	sst s6  }
0xf: {  	[smem:$0x3FB1] =	sst s7  }
0x10: {  	[smem:$0x3FB2] =	sst s8  }
0x11: {  	[smem:$0x3FB3] =	sst s9;
	s0 =	simm.s32 @!p0 $0x0  }
0x12: {  	s1 =	sld [smem:$0x3F99];
	s0 =	simm.s32 @p0 $0x1  }
0x13: {  	[smem:$0x3FB4] =	sst s0;
	s0 =	simm.s32 @!p1 $0x0  }
0x14: {  	s2 =	sld [smem:$0x3F98];
	s0 =	simm.s32 @p1 $0x1  }
0x15: {  	[smem:$0x3FB5] =	sst s0;
	s0 =	simm.s32 @!p2 $0x0  }
0x16: {  	s3 =	sld [smem:$0x3FDB];
	s0 =	simm.s32 @p2 $0x1  }
0x17: {  	s4 =	simm.s32 $0x1BF5;
	[smem:$0x3FB7] =	sst s0  }
0x18: {  	s0 =	sld [smem:$0x3F9A];
	_ =	swait.ge [sflag:s4], $0x0  }
0x19: {  	s7 =	sld [smem:$0x3F9B]  }
0x1a: {  	s8 =	sadd.s32 $0xFFFFE003, lr  }
0x1b: {  	s9 =	sadd.s32 $0xFFFFFEF7, lr;
	s5 =	simm.s32 $0xFFFFFFFF;
	p2 =	slt.u32 s8, $0xFFFFF086  }
0x1c: {  	p1 =	slt.u32 s9, $0xF7A;
	s5 =	simm.s32 @!p2 $0x0  }
0x1d: {  	s5 =	simm.s32 @p1 $0x1;
	p0 =	seq.s32 s7, s2  }
0x1e: {  	s7 =	smul.u32 @!p0 $0xF7A, s2;
	p2 =	seq.s32 @!p0 s5, $0x0  }
0x1f: {  	s9 =	smul.u32 $0xF7A, s1;
	s8 =	simm.s32 @!p0 $0x1BF5;
	p2 =	por !p2, p0  }
0x20: {  	[sflag:s8] =	ssyncset.s32 @!p0 $0xFFFFF086;
	s6 =	sadd.s32 @!p0 s3, s7;
	s7 =	simm.s32 @!p0 $0x108  }
0x21: {  	s3 =	sadd.s32 s3, s9;
	s6 =	sadd.s32 @!p0 $0x88, s6;
	s7 =	simm.s32 @p2 $0x1082  }
0x22: {  	[simem:s7], [sflag:s8] =	dma.local @!p0 [hbm:s6], $0xF7A  }
0x23: {  	s9 =	sor.u32 $0xD0000000, s2;
	s6 =	simm.s32 $0x108;
	_ =	swait.ge @!p0 [sflag:s8], $0x0  }
0x24: {  	s3 =	sadd.s32 $0x88, s3;
	s6 =	simm.s32 @!p1 $0x1082;
	[sflag:s4] =	ssyncset.s32 $0xFFFFF086  }
0x25: {  	[simem:s6], [sflag:s4] =	dma.local [hbm:s3], $0xF7A  }
0x26: {  	[smem:$0x3F9B] =	sst s1;
	(tag) =	ssettag s2;
	_ =	strace s9  }
0x27: {  	s1 =	sld [smem:$0x3FAB]  }
0x28: {  	s2 =	sld [smem:$0x3FAC]  }
0x29: {  	s4 =	sld [smem:$0x3FAE]  }
0x2a: {  	p0 =	seq.s32 s5, $0x0;
	s5 =	sld [smem:$0x3FAF]  }
0x2b: {  	s6 =	sld [smem:$0x3FB0]  }
0x2c: {  	s7 =	sld [smem:$0x3FB1]  }
0x2d: {  	s3 =	simm.s32 $0x108;
	s8 =	sld [smem:$0x3FB2]  }
0x2e: {  	s3 =	simm.s32 @!p0 $0x1082;
	s9 =	sld [smem:$0x3FB3]  }
0x2f: {  	lr =	sadd.s32 s0, s3;
	s0 =	sld [smem:$0x3FAA]  }
0x30: {  	s3 =	sld [smem:$0x3FAD]  }
0x31: {  	[smem:$0x3FB6] =	sst s10  }
0x32: {  	s10 =	sld [smem:$0x3FB4];
	_ =	sdelay $0x3  }
0x33: {  	p0 =	seq.s32 s10, $0x1;
	s10 =	sld [smem:$0x3FB6];
	_ =	sdelay $0x3  }
0x34: {  	[smem:$0x3FB6] =	sst s10  }
0x35: {  	s10 =	sld [smem:$0x3FB5];
	_ =	sdelay $0x3  }
0x36: {  	p1 =	seq.s32 s10, $0x1;
	s10 =	sld [smem:$0x3FB6];
	_ =	sdelay $0x3  }
0x37: {  	[smem:$0x3FB6] =	sst s10  }
0x38: {  	s10 =	sld [smem:$0x3FB7]  }
0x39: {  	_ = 	snop;
	(pc) =	sbr.ind lr, $3  }
0x3a: {  	_ = 	snop  }
0x3b: {  	_ = 	snop  }
0x3c: {  	p2 =	seq.s32 s10, $0x1;
	s10 =	sld [smem:$0x3FB6]  }
0x3d: {  	_ =	shalt  }
0x3e: {  	_ =	shalt  }
0x3f: {  	_ =	shalt  }
0x40: {  	_ =	shalt  }
0x41: {  	_ =	shalt  }
0x42: {  	_ =	shalt  }
0x43: {  	_ =	shalt  }
0x44: {  	_ =	shalt  }
0x45: {  	_ =	shalt  }
0x46: {  	_ =	shalt  }
0x47: {  	_ =	shalt  }
0x48: {  	_ =	shalt  }
0x49: {  	_ =	shalt  }
0x4a: {  	_ =	shalt  }
0x4b: {  	_ =	shalt  }
0x4c: {  	_ =	shalt  }
0x4d: {  	_ =	shalt  }
0x4e: {  	_ =	shalt  }
0x4f: {  	_ =	shalt  }
0x50: {  	_ =	shalt  }
0x51: {  	_ =	shalt  }
0x52: {  	_ =	shalt  }
0x53: {  	_ =	shalt  }
0x54: {  	_ =	shalt  }
0x55: {  	_ =	shalt  }
0x56: {  	_ =	shalt  }
0x57: {  	_ =	shalt  }
0x58: {  	_ =	shalt  }
0x59: {  	_ =	shalt  }
0x5a: {  	_ =	shalt  }
0x5b: {  	_ =	shalt  }
0x5c: {  	_ =	shalt  }
0x5d: {  	_ =	shalt  }
0x5e: {  	_ =	shalt  }
0x5f: {  	_ =	shalt  }
0x60: {  	_ =	shalt  }
0x61: {  	_ =	shalt  }
0x62: {  	_ =	shalt  }
0x63: {  	_ =	shalt  }
0x64: {  	_ =	shalt  }
0x65: {  	_ =	shalt  }
0x66: {  	_ =	shalt  }
0x67: {  	_ =	shalt  }
0x68: {  	_ =	shalt  }
0x69: {  	_ =	shalt  }
0x6a: {  	_ =	shalt  }
0x6b: {  	_ =	shalt  }
0x6c: {  	_ =	shalt  }
0x6d: {  	_ =	shalt  }
0x6e: {  	_ =	shalt  }
0x6f: {  	_ =	shalt  }
0x70: {  	_ =	shalt  }
0x71: {  	_ =	shalt  }
0x72: {  	_ =	shalt  }
0x73: {  	_ =	shalt  }
0x74: {  	_ =	shalt  }
0x75: {  	_ =	shalt  }
0x76: {  	_ =	shalt  }
0x77: {  	_ =	shalt  }
0x78: {  	_ =	shalt  }
0x79: {  	_ =	shalt  }
0x7a: {  	_ =	shalt  }
0x7b: {  	_ =	shalt  }
0x7c: {  	_ =	shalt  }
0x7d: {  	_ =	shalt  }
0x7e: {  	_ =	shalt  }
0x7f: {  	_ =	shalt  }
0x80: {  	_ =	shalt  }
0x81: {  	_ =	shalt  }
0x82: {  	_ =	shalt  }
0x83: {  	_ =	shalt  }
0x84: {  	_ =	shalt  }
0x85: {  	_ =	shalt  }
0x86: {  	_ =	shalt  }
0x87: {  	_ =	shalt  }
.Lfunc_end0:
.L_simem_size_0:
called_computation_lowered:
.L_overlay_start_0:
0x88: {  	s2 =	sld [smem:$0x3FD9]  }
0x89: {  	s3 =	sld [smem:$0x3FFE];
	_ =	sdelay $0x1  }
0x8a: {  	s1 =	srdreg.scid  }
0x8b: {  	s0 =	sand.u32 $0x1, s1  }
0x8c: {  	s15 =	sshll.u32 s0, $0xA;
	s2 =	sadd.s32 s3, s2  }
0x8d: {  	s2 =	sadd.s32 s2, s15  }
0x8e: {  	[smem:$0x3FC2] =	sst s2  }
0x8f: {  	_ = 	snop  }
0x90: {  	s2 =	sld [smem:$0x3FC9]  }
0x91: {  	s16 =	sld [smem:$0x3FC8]  }
0x92: {  	s4 =	sld [smem:$0x3FC7]  }
0x93: {  	s5 =	sld [smem:$0x3FD0]  }
0x94: {  	s6 =	sld [smem:$0x3FC6]  }
0x95: {  	s7 =	sld [smem:$0x3FC5]  }
0x96: {  	s9 =	simm.s32 $0xA;
	s10 =	simm.s32 $0x10;
	s8 =	sld [smem:$0x3FC4]  }
0x97: {  	[smem:s10], [sflag:s9] =	dma.local [hbm:s5], $0x1  }
0x98: {  	_ =	swait.eq [sflag:s9], $0x1  }
0x99: {  	[sflag:s9] =	ssyncset.done $0x0  }
0x9a: {  	s17 =	sld [smem:$0x10];
	[sflag:s9] =	ssyncadd.s32 $0xFFFFFFFF  }
0x9b: {  	s18 =	sld [smem:$0x11];
	(tm) =	ssettm $0x1  }
0x9c: {  	s19 =	sld [smem:$0x3FFB];
	_ =	sdelay $0x3  }
0x9d: {  	_ =	strace s19  }
0x9e: {  	s10 =	sld [smem:$0x3FFC];
	_ =	sdelay $0x3  }
0x9f: {  	_ =	strace s10  }
0xa0: {  	s10 =	sld [smem:$0x3FFD];
	_ =	sdelay $0x3  }
0xa1: {  	_ =	strace s10  }
0xa2: {  	_ =	strace $0x8FFFFFFF  }
0xa3: {  	s20 =	sld [smem:$0x3FDB];
	_ =	sdelay $0x1  }
0xa4: {  	s11 =	simm.s32 $_scs_section_size  }
0xa5: {  	s12 =	simm.s32 $_size__tile_overlayer_lowered;
	s13 =	simm.s32 $_tile_overlayer_lowered  }
0xa6: {  	s23 =	simm.s32 $0x1BFF;
	s22 =	sshll.u32 s13, $0x1;
	s10 =	sadd.s32 s11, s20  }
0xa7: {  	s14 =	simm.s32 $0x0;
	s21 =	sshll.u32 s12, $0x1;
	s12 =	sadd.s32 s22, s10  }
0xa8: {  	[timem:s14], [sflag:s23] =	dma.local [hbm:s12], s21  }
0xa9: {  	_ =	swait.ge [sflag:s23], s21  }
0xaa: {  	s11 =	ssub.s32 $0x0, s21;
	[sflag:s23] =	ssyncset.done $0x0  }
0xab: {  	[sflag:s23] =	ssyncadd.s32 s11;
	_ =	sdelay $0x1  }
0xac: {  	s24 =	simm.s32 $0x1B8B  }
0xad: {  	_ =	swait.ge [sflag:s24], $0x1  }
0xae: {  	[sflag:s24] =	ssyncset.done $0x0  }
0xaf: {  	s25 =	simm.s32 $0x1B8E;
	[sflag:s24] =	ssyncadd.s32 $0xFFFFFFFF  }
0xb0: {  	s26 =	simm.s32 $execute0_lowered;
	[smem:$0x3FD2] =	sst s25  }
0xb1: {  	s11 =	sshll.u32 s26, $0x1;
	_ =	strace $0x80000046;
	[dreg:$0x1] =	wrdreg $0xFFFFFFFF  }
0xb2: {  	s28 =	simm.s32 $_size_execute0_lowered;
	s10 =	sadd.s32 s10, s11;
	[dreg:$0x0] =	wrdreg $0x0  }
0xb3: {  	s11 =	sshll.u32 s28, $0x1;
	[dreg:$0x2] =	wrdreg s10  }
0xb4: {  	[dreg:$0x3] =	wrdreg s11  }
0xb5: {  	[dreg:$0x4] =	wrdreg $0xC0  }
0xb6: {  	_ =	task [dreg:s14], $0x5FFFF  }
0xb7: {  	[dreg:$0x1] =	wrdreg $0xFFFFFFFF  }
0xb8: {  	[dreg:$0x0] =	wrdreg $0x60  }
0xb9: {  	[dreg:$0x2] =	wrdreg s2  }
0xba: {  	[dreg:$0x3] =	wrdreg s4  }
0xbb: {  	[dreg:$0x4] =	wrdreg s16  }
0xbc: {  	[dreg:$0x5] =	wrdreg s6  }
0xbd: {  	[dreg:$0x6] =	wrdreg s7  }
0xbe: {  	[dreg:$0x7] =	wrdreg s8  }
0xbf: {  	[dreg:$0x8] =	wrdreg s17  }
0xc0: {  	[dreg:$0x9] =	wrdreg s18  }
0xc1: {  	[dreg:$0xa] =	wrdreg $0x9  }
0xc2: {  	_ =	task.clear_ibuf [dreg:s14], $0xBFFFF;
	_ =	strace $0x90000046  }
0xc3: {  	s29 =	simm.s32 $0x9;
	_ =	strace $0x80000048  }
0xc4: {  	_ =	swait.ge [sflag:s29], $0x1  }
0xc5: {  	[sflag:s29] =	ssyncadd.s32 $0xFFFFFFFF  }
0xc6: {  	_ =	strace $0x90000048  }
0xc7: {  	_ =	sfence  }
0xc8: {  	s30 =	sld [smem:$0x0];
	_ =	sdelay $0x2  }
0xc9: {  	s31 =	sshll.u32 s1, $0xD;
	s1 =	sshrl.u32 s1, $0x2  }
0xca: {  	s3 =	sand.u32 $0x4000, s31;
	s1 =	sadd.s32 s1, s30  }
0xcb: {  	s0 =	sor.u32 s3, s0;
	s1 =	sshll.u32 s1, $0x11  }
0xcc: {  	s0 =	sor.u32 s1, s0  }
0xcd: {  	s0 =	sadd.s32 $0x8F2B, s0  }
0xce: {  	[sflag:s0] =	ssyncadd.remote.s32 $0x1  }
0xcf: {  	_ =	sfence.sel $0xFFFF  }
0xd0: {  	[dreg:$0x0] =	wrdreg $0xFFFFFFFF;
	(pc) =	sbr.abs _section_cstart, $3  }
0xd1: {  	[dreg:$0x1] =	wrdreg $0xFFFFFFFF  }
0xd2: {  	_ =	task.clear_ibuf [dreg:s14], $0x2FFFF;
	_ =	strace $0x9FFFFFFF  }
0xd3: {  	(tm) =	ssettm $0x7FFFFFFF  }
tec
execute0_lowered:
.L_overlay_start_1:
0x0: {  	(tag) =	ssettag $0x1  }
0x1: {  	s3 =	rddreg [dreg:$0x2]  }
0x2: {  	s4 =	rddreg [dreg:$0x3]  }
0x3: {  	s5 =	rddreg [dreg:$0x4]  }
0x4: {  	s0 =	rddreg [dreg:$0x6]  }
0x5: {  	s8 =	rddreg [dreg:$0x7];
	s9 =	simm.s32 $0x0  }
0x6: {  	s1 =	srdreg.scid;
	s12 =	stileid.u32;
	s20 =	simm.s32 $0x4  }
0x7: {  	s21 =	simm.s32 $0x4000;
	s22 =	simm.s32 $0x8200;
	s23 =	simm.s32 $0xC200  }
0x8: {  	s28 =	simm.s32 $0x2;
	s29 =	simm.s32 $0x3;
	s30 =	simm.s32 $0x10200  }
0x9: {  	s31 =	simm.s32 $0x18200;
	[smem:$0x7FF] =	sst s9;
	s1 =	sand.u32 $0x1, s1  }
0xa: {  	s2 =	sshll.u32 s12, $0x1;
	s7 =	sshll.u32 s12, $0xF;
	s14 =	sshll.u32 s12, $0xC  }
0xb: {  	_ =	strace $0x80000047;
	s6 =	ssub.s32 $0x2, s1;
	s10 =	sor.u32 s1, s2  }
0xc: {  	s1 =	sshll.u32 s1, $0xB;
	s17 =	sshrl.u32 s6, $0x1;
	s11 =	sshll.u32 s10, $0x7  }
0xd: {  	s18 =	sshll.u32 s10, $0x6;
	s19 =	sand.u32 $0xF, s10;
	s15 =	sshll.u32 s10, $0x4  }
0xe: {  	s1 =	sor.u32 s1, s14;
	s2 =	ssub.s32 s6, s17;
	s7 =	sor.u32 s11, s7  }
0xf: {  	s0 =	sadd.s32 s0, s18;
	s26 =	sor.u32 s15, s14;
	s1 =	sor.u32 $0x80, s1  }
0x10: {  	p0 =	sne.s32 s19, $0x0;
	[dreg:$0x9] =	wrdreg s0;
	s24 =	sand.u32 $0x60380, s7  }
.Ltmp0:
0x11: {  	s14 =	sand.u32 $0x4070, s26;
	s15 =	sand.u32 $0x20380, s7;
	(pc) =	sbr.rel .LBB2_1-.Ltmp0, $4  }
0x12: {  	s1 =	sshrl.u32 s1, $0x2;
	s16 =	smax.u32 s2, $0x1;
	s26 =	simm.s32 $0x400  }
0x13: {  	s2 =	simm.s32 $0x1;
	s7 =	simm.s32 $0x0;
	s6 =	sshrl.u32 s24, $0x3  }
0x14: {  	s17 =	sor.u32 $0x10000, s14;
	s18 =	sadd.s32 $0x4200, s1;
	s25 =	sadd.s32 s3, s6  }
0x15: {  	v0 =	vimm.s32 $0x0;
	v1 =	vimm.s32 $0x1;
	s13 =	sadd.s32 s4, s6;
	[dreg:$0xa] =	wrdreg s25;
	s25 =	simm.s32 $0x80  }
.LBB2_20:
0x16: {  	s7 =	sadd.s32 $0x1, s7  }
0x17: {  	p1 =	sne.s32 s7, s16  }
.Ltmp1:
0x18: {  	_ = 	snop;
	(pc) =	sbr.rel @!p1 .LBB2_21-.Ltmp1, $4  }
0x19: {  	_ = 	snop  }
0x1a: {  	_ =	swait.ge [sflag:s29], $0x4000  }
0x1b: {  	[sflag:s29] =	ssyncset.done $0x0  }
0x1c: {  	[sflag:s29] =	ssyncadd.s32 $0xFFFFC000  }
.LBB2_1:
0x1d: {  	s0 =	rddreg [dreg:$0x5];
	s1 =	simm.s32 $0x4200  }
0x1e: {  	[tilespmem:s1], [sflag:$0x4] =	stream.linear.gather [hbm4b:s0+s9], $0x4000, $0x38;
	[tilespmem:$0x1C400] =	vst v63  }
0x1f: {  	_ =	swait.ge [sflag:s20], $0x4000  }
0x20: {  	[sflag:s20] =	ssyncset.done $0x0  }
0x21: {  	s0 =	simm.s32 $0x20;
	[sflag:s20] =	ssyncadd.s32 $0xFFFFC000  }
0x22: {  	[tilespmem:s0+$0xFFFFFFE0] =	vst v0  }
0x23: {  	[tilespmem:s0+$0x10] =	vst v0  }
0x24: {  	s1 =	simm.s32 $0x0;
	[tilespmem:s0+$0x0] =	vst v0  }
.LBB2_2:
0x25: {  	s1 =	sadd.s32 $0x40, s1  }
0x26: {  	[tilespmem:s0+$0xFFFFFFF0] =	vst v0;
	s0 =	sadd.s32 $0x40, s0;
	p1 =	slt.u32 s1, $0x3FC0  }
.Ltmp2:
0x27: {  	[tilespmem:s0+$0xFFFFFFE0] =	vst v0;
	(pc) =	sbr.rel @p1 .LBB2_2-.Ltmp2, $3  }
0x28: {  	_ =	sdelay $0x1  }
0x29: {  	[tilespmem:s0+$0x10] =	vst v0  }
0x2a: {  	[tilespmem:s0+$0x0] =	vst v0  }
0x2b: {  	[tilespmem:s0+$0xFFFFFFF0] =	vst v0;
	s0 =	simm.s32 $0x0  }
.LBB2_4:
0x2c: {  	s1 =	sshll.u32 s0, $0x6  }
0x2d: {  	s1 =	sadd.s32 s5, s1  }
0x2e: {  	[tilespmem:s21], [sflag:$0x4] =	stream.linear.gather [hbm4b:s1+s9], $0x200, $0x38;
	[tilespmem:$0x1C400] =	vst v63  }
0x2f: {  	_ =	swait.ge [sflag:s20], $0x200  }
0x30: {  	[sflag:s20] =	ssyncset.done $0x0  }
0x31: {  	s6 =	simm.s32 $0x4020;
	[sflag:s20] =	ssyncadd.s32 $0xFFFFFE00  }
0x32: {  	v4 =	vld [tilespmem:s6+$0x10]  }
0x33: {  	v5 =	vld [tilespmem:s6+$0xFFFFFFF0]  }
0x34: {  	v2 =	vld [tilespmem:s6+$0x0]  }
0x35: {  	v3 =	vld [tilespmem:s6+$0xFFFFFFE0];
	_ =	sdelay $0x3  }
0x36: {  	s1 =	simm.s32 $0x0;
	s6 =	simm.s32 $0x4060  }
.LBB2_5:
0x37: {  	s1 =	sadd.s32 $0x40, s1;
	[tilespmem:v4+s9+$0x0] =	vst.idx.msk $0xffff, v1;
	v4 =	vld [tilespmem:s6+$0x10]  }
0x38: {  	p1 =	slt.u32 s1, $0x1C0;
	[tilespmem:v5+s9+$0x0] =	vst.idx.msk $0xffff, v1;
	v5 =	vld [tilespmem:s6+$0xFFFFFFF0]  }
0x39: {  	[tilespmem:v2+s9+$0x0] =	vst.idx.msk $0xffff, v1;
	v2 =	vld [tilespmem:s6+$0x0]  }
.Ltmp3:
0x3a: {  	[tilespmem:v3+s9+$0x0] =	vst.idx.msk $0xffff, v1;
	v3 =	vld [tilespmem:s6+$0xFFFFFFE0];
	(pc) =	sbr.rel @p1 .LBB2_5-.Ltmp3, $2  }
0x3b: {  	_ =	sdelay $0x2  }
0x3c: {  	s6 =	sadd.s32 $0x40, s6  }
0x3d: {  	_ = 	snop  }
0x3e: {  	s0 =	sadd.s32 $0x1, s0  }
0x3f: {  	p1 =	sne.s32 s0, $0x10  }
.Ltmp4:
0x40: {  	_ = 	snop;
	(pc) =	sbr.rel @p1 .LBB2_4-.Ltmp4, $4  }
0x41: {  	[tilespmem:v4+s9+$0x0] =	vst.idx.msk $0xffff, v1  }
0x42: {  	[tilespmem:v5+s9+$0x0] =	vst.idx.msk $0xffff, v1  }
0x43: {  	[tilespmem:v2+s9+$0x0] =	vst.idx.msk $0xffff, v1  }
0x44: {  	[tilespmem:v3+s9+$0x0] =	vst.idx.msk $0xffff, v1  }
0x45: {  	s1 =	simm.s32 $0x4220  }
0x46: {  	v10 =	vld [tilespmem:s1+$0x10];
	_ =	sdelay $0x3  }
0x47: {  	v8 =	vld [tilespmem:s1+$0xFFFFFFE0]  }
0x48: {  	v6 =	vld [tilespmem:s1+$0xFFFFFFF0]  }
0x49: {  	s0 =	simm.s32 $0x4260;
	v4 =	vld [tilespmem:s1+$0x0]  }
0x4a: {  	v3 =	vld [tilespmem:s0+$0x10]  }
0x4b: {  	v9 =	vld.idx.msk [tilespmem:v10+s9+$0x0], $0xffff;
	_ =	sdelay $0x1  }
0x4c: {  	v7 =	vld [tilespmem:s0+$0xFFFFFFF0]  }
0x4d: {  	v5 =	vld [tilespmem:s0+$0xFFFFFFE0]  }
0x4e: {  	v2 =	vld [tilespmem:s0+$0x0]  }
0x4f: {  	v12 =	vld.idx.msk [tilespmem:v8+s9+$0x0], $0xffff;
	v13 =	vshll.u32 v9, $0xE  }
0x50: {  	v11 =	vld.idx.msk [tilespmem:v6+s9+$0x0], $0xffff  }
0x51: {  	v9 =	vld.idx.msk [tilespmem:v4+s9+$0x0], $0xffff;
	v10 =	vadd.s32 v10, v13  }
0x52: {  	s6 =	simm.s32 $0x40;
	s19 =	simm.s32 $0x42A0;
	[tilespmem:s1+$0x10] =	vst v10;
	v10 =	vld.idx.msk [tilespmem:v3+s9+$0x0], $0xffff;
	v13 =	vmov v5  }
.LBB2_8:
0x53: {  	v14 =	vld [tilespmem:s19+$0x10];
	s6 =	sadd.s32 $0x40, s6  }
0x54: {  	v12 =	vshll.u32 v12, $0xE;
	v15 =	vld [tilespmem:s19+$0xFFFFFFF0];
	p1 =	slt.u32 s6, $0x3FC0  }
0x55: {  	v12 =	vadd.s32 v8, v12;
	v11 =	vshll.u32 v11, $0xE;
	v8 =	vmov v5;
	v16 =	vld [tilespmem:s19+$0x0]  }
0x56: {  	v11 =	vadd.s32 v6, v11;
	v9 =	vshll.u32 v9, $0xE;
	v6 =	vmov v7;
	v5 =	vld [tilespmem:s19+$0xFFFFFFE0];
	[tilespmem:s1+$0xFFFFFFE0] =	vst v12  }
.Ltmp5:
0x57: {  	v9 =	vadd.s32 v4, v9;
	v4 =	vmov v2;
	v12 =	vld.idx.msk [tilespmem:v13+s9+$0x0], $0xffff;
	[tilespmem:s1+$0xFFFFFFF0] =	vst v11;
	(pc) =	sbr.rel @p1 .LBB2_8-.Ltmp5, $4  }
0x58: {  	v10 =	vshll.u32 v10, $0xE;
	v11 =	vld.idx.msk [tilespmem:v7+s9+$0x0], $0xffff;
	[tilespmem:s1+$0x0] =	vst v9;
	s1 =	smov.u32 s0;
	s0 =	smov.u32 s19  }
0x59: {  	v10 =	vadd.s32 v3, v10;
	v3 =	vmov v14;
	v9 =	vld.idx.msk [tilespmem:v2+s9+$0x0], $0xffff;
	v7 =	vmov v15  }
0x5a: {  	[tilespmem:s1+$0x10] =	vst v10;
	v2 =	vmov v16  }
0x5b: {  	s19 =	sadd.s32 $0x40, s19;
	v10 =	vld.idx.msk [tilespmem:v14+s9+$0x0], $0xffff;
	v13 =	vmov v5  }
0x5c: {  	_ =	sdelay $0x3  }
0x5d: {  	v13 =	vld.idx.msk [tilespmem:v13+s9+$0x0], $0xffff  }
0x5e: {  	v12 =	vshll.u32 v12, $0xE;
	v14 =	vld.idx.msk [tilespmem:v7+s9+$0x0], $0xffff  }
0x5f: {  	v63 =	vld.idx.msk [tilespmem:v2+s9+$0x0], $0xffff;
	v8 =	vadd.s32 v8, v12;
	v11 =	vshll.u32 v11, $0xE  }
0x60: {  	[tilespmem:s1+$0xFFFFFFE0] =	vst v8;
	v6 =	vadd.s32 v6, v11;
	v8 =	vshll.u32 v9, $0xE  }
0x61: {  	[tilespmem:s1+$0xFFFFFFF0] =	vst v6;
	v4 =	vadd.s32 v4, v8;
	v6 =	vshll.u32 v10, $0xE  }
0x62: {  	[tilespmem:s1+$0x0] =	vst v4;
	v3 =	vadd.s32 v3, v6;
	v4 =	vshll.u32 v13, $0xE  }
0x63: {  	[tilespmem:s0+$0x10] =	vst v3;
	v3 =	vadd.s32 v5, v4;
	v4 =	vshll.u32 v14, $0xE  }
0x64: {  	[tilespmem:s0+$0xFFFFFFE0] =	vst v3;
	v3 =	vadd.s32 v7, v4;
	v4 =	vshll.u32 v63, $0xE  }
0x65: {  	[tilespmem:s0+$0xFFFFFFF0] =	vst v3;
	v2 =	vadd.s32 v2, v4  }
0x66: {  	s19 =	rddreg [dreg:$0x0];
	[tilespmem:s0+$0x0] =	vst v2  }
0x67: {  	[tilespmem:s22], [sflag:$0x4] =	stream.linear.gather [hbm4b:s19+s9], $0x4000, $0x38;
	[tilespmem:$0x1C400] =	vst v63  }
0x68: {  	_ =	swait.ge [sflag:s20], $0x4000  }
0x69: {  	[sflag:s20] =	ssyncset.done $0x0  }
0x6a: {  	[sflag:s20] =	ssyncadd.s32 $0xFFFFC000  }
0x6b: {  	s24 =	rddreg [dreg:$0x1]  }
0x6c: {  	[tilespmem:s23], [sflag:$0x4] =	stream.linear.gather [hbm4b:s24+s9], $0x4000, $0x38;
	[tilespmem:$0x1C400] =	vst v63  }
0x6d: {  	_ =	swait.ge [sflag:s20], $0x4000  }
0x6e: {  	[sflag:s20] =	ssyncset.done $0x0  }
0x6f: {  	[sflag:s20] =	ssyncadd.s32 $0xFFFFC000  }
0x70: {  	v2 =	vld [tilespmem:s18+$0x10];
	_ =	sdelay $0x1  }
0x71: {  	v4 =	vld [tilespmem:s18+$0xFFFFFFE0]  }
0x72: {  	v5 =	vld [tilespmem:s18+$0xFFFFFFF0]  }
0x73: {  	s6 =	sadd.s32 $0x40, s18;
	v6 =	vld [tilespmem:s18+$0x0]  }
0x74: {  	v9 =	vld [tilespmem:s6+$0x10]  }
0x75: {  	v3 =	vld [tilespmem:s6+$0xFFFFFFF0]  }
0x76: {  	v8 =	vld [tilespmem:s6+$0xFFFFFFE0]  }
0x77: {  	v10 =	vld.idx.msk [tilespmem:v2+s22+$0x0], $0xffff  }
0x78: {  	v2 =	vld [tilespmem:s6+$0x0]  }
0x79: {  	v7 =	vld.idx.msk [tilespmem:v4+s22+$0x0], $0xffff  }
0x7a: {  	v4 =	vld.idx.msk [tilespmem:v5+s22+$0x0], $0xffff  }
0x7b: {  	s0 =	simm.s32 $0x1C220;
	v5 =	vld.idx.msk [tilespmem:v6+s22+$0x0], $0xffff  }
0x7c: {  	s1 =	simm.s32 $0x40;
	v6 =	vld.idx.msk [tilespmem:v9+s22+$0x0], $0xffff;
	s6 =	sadd.s32 $0x40, s6;
	[tilespmem:s0+$0x10] =	vst v10  }
.LBB2_10:
0x7d: {  	v9 =	vld [tilespmem:s6+$0x10];
	s1 =	sadd.s32 $0x40, s1  }
0x7e: {  	v10 =	vld [tilespmem:s6+$0xFFFFFFF0];
	p1 =	slt.u32 s1, $0x1C0;
	[tilespmem:s0+$0xFFFFFFE0] =	vst v7  }
0x7f: {  	v11 =	vld [tilespmem:s6+$0x0];
	[tilespmem:s0+$0xFFFFFFF0] =	vst v4  }
0x80: {  	v12 =	vld [tilespmem:s6+$0xFFFFFFE0];
	[tilespmem:s0+$0x0] =	vst v5  }
.Ltmp6:
0x81: {  	s0 =	sadd.s32 $0x40, s0;
	v7 =	vld.idx.msk [tilespmem:v8+s22+$0x0], $0xffff;
	(pc) =	sbr.rel @p1 .LBB2_10-.Ltmp6, $4  }
0x82: {  	v4 =	vld.idx.msk [tilespmem:v3+s22+$0x0], $0xffff;
	[tilespmem:s0+$0x10] =	vst v6  }
0x83: {  	v5 =	vld.idx.msk [tilespmem:v2+s22+$0x0], $0xffff;
	v3 =	vmov v10  }
0x84: {  	v2 =	vmov v11  }
0x85: {  	s6 =	sadd.s32 $0x40, s6;
	v6 =	vld.idx.msk [tilespmem:v9+s22+$0x0], $0xffff;
	v8 =	vmov v12  }
0x86: {  	_ =	sdelay $0x3  }
0x87: {  	v8 =	vld.idx.msk [tilespmem:v8+s22+$0x0], $0xffff  }
0x88: {  	[tilespmem:s0+$0xFFFFFFE0] =	vst v7;
	v3 =	vld.idx.msk [tilespmem:v3+s22+$0x0], $0xffff  }
0x89: {  	v2 =	vld.idx.msk [tilespmem:v2+s22+$0x0], $0xffff;
	[tilespmem:s0+$0xFFFFFFF0] =	vst v4  }
0x8a: {  	s19 =	sadd.s32 $0x40, s0;
	[tilespmem:s0+$0x0] =	vst v5  }
0x8b: {  	[tilespmem:s19+$0x10] =	vst v6  }
0x8c: {  	[tilespmem:s19+$0xFFFFFFE0] =	vst v8  }
0x8d: {  	[tilespmem:s19+$0xFFFFFFF0] =	vst v3  }
0x8e: {  	[tilespmem:s19+$0x0] =	vst v2  }
0x8f: {  	s6 =	simm.s32 $0x1C200;
	s0 =	simm.s32 $0x0;
	s1 =	rddreg [dreg:$0x9]  }
0x90: {  	[hbm4b:s1+s0] =	stream.linear.scatter [tilespmem:s6], [sflag:$0x4], $0x200, $0x38;
	[tilespmem:$0x1C400] =	vst v63  }
0x91: {  	_ =	swait.ge [sflag:s20], $0x200  }
.Ltmp7:
0x92: {  	[sflag:s20] =	ssyncset.done $0x0;
	(pc) =	sbr.rel .LBB2_12-.Ltmp7, $4  }
0x93: {  	s24 =	rddreg [dreg:$0xa];
	[sflag:s20] =	ssyncadd.s32 $0xFFFFFE00  }
0x94: {  	[tilespmem:s22], [sflag:$0x1] =	stream.strided.gather [hbm4b:s24+s25], $0x4000, s26, s25, $0x38;
	[tilespmem:$0x1C400] =	vst v63  }
0x95: {  	_ = 	snop  }
0x96: {  	[tilespmem:s23], [sflag:$0x1] =	stream.strided.gather [hbm4b:s13+s25], $0x4000, s26, s25, $0x38;
	[tilespmem:$0x1C400] =	vst v63  }
.LBB2_19:
0x97: {  	s0 =	sadd.s32 $0x1, s0  }
0x98: {  	p1 =	sne.s32 s0, $0x19  }
.Ltmp8:
0x99: {  	_ = 	snop;
	(pc) =	sbr.rel @!p1 .LBB2_20-.Ltmp8, $4  }
0x9a: {  	_ = 	snop  }
0x9b: {  	s1 =	sshrl.u32 s1, $0x3  }
0x9c: {  	s1 =	sadd.s32 s8, s1  }
0x9d: {  	[hbm4b:s1+s25] =	stream.strided.scatter [tilespmem:s31], [sflag:$0x3], $0x4000, s26, s25, $0x38;
	[tilespmem:$0x1C400] =	vst v63  }
.LBB2_12:
0x9e: {  	s1 =	sand.u32 $0x1, s0  }
0x9f: {  	p1 =	seq.s32 s1, $0x1  }
.Ltmp9:
0xa0: {  	_ = 	snop;
	(pc) =	sbr.rel @!p1 .LBB2_13-.Ltmp9, $3  }
0xa1: {  	_ =	sdelay $0x1  }
0xa2: {  	s6 =	sshll.u32 s0, $0x5  }
0xa3: {  	s1 =	sor.u32 s10, s6  }
0xa4: {  	s6 =	sshll.u32 s1, $0xB  }
0xa5: {  	s6 =	sadd.s32 $0x10000, s6  }
0xa6: {  	s6 =	sand.u32 $0xFFE8000, s6  }
0xa7: {  	s6 =	sor.u32 s6, s14  }
0xa8: {  	s11 =	sadd.s32 s3, s6  }
0xa9: {  	[tilespmem:s22], [sflag:$0x1] =	stream.strided.gather [hbm4b:s11+s25], $0x4000, s26, s25, $0x38;
	[tilespmem:$0x1C400] =	vst v63  }
0xaa: {  	s6 =	sadd.s32 s4, s6  }
0xab: {  	[tilespmem:s23], [sflag:$0x1] =	stream.strided.gather [hbm4b:s6+s25], $0x4000, s26, s25, $0x38;
	[tilespmem:$0x1C400] =	vst v63  }
0xac: {  	_ =	swait.ge [sflag:s28], $0x4000  }
0xad: {  	[sflag:s28] =	ssyncset.done $0x0  }
0xae: {  	[sflag:s28] =	ssyncadd.s32 $0xFFFFC000  }
0xaf: {  	_ =	swait.ge [sflag:s28], $0x4000  }
0xb0: {  	[sflag:s28] =	ssyncset.done $0x0  }
0xb1: {  	[sflag:s28] =	ssyncadd.s32 $0xFFFFC000  }
0xb2: {  	_ =	swait.ge [sflag:s29], $0x4000  }
0xb3: {  	[sflag:s29] =	ssyncset.done $0x0  }
0xb4: {  	s24 =	simm.s32 $0x4240;
	[sflag:s29] =	ssyncadd.s32 $0xFFFFC000  }
0xb5: {  	v2 =	vld [tilespmem:s24+$0x30]  }
0xb6: {  	v3 =	vld [tilespmem:s24+$0xFFFFFFD0]  }
0xb7: {  	v4 =	vld [tilespmem:s24+$0xFFFFFFE0]  }
0xb8: {  	v5 =	vld [tilespmem:s24+$0xFFFFFFF0]  }
0xb9: {  	v8 =	vld [tilespmem:s24+$0x0]  }
0xba: {  	v9 =	vld [tilespmem:s24+$0x10]  }
0xbb: {  	v10 =	vld [tilespmem:s24+$0x20]  }
0xbc: {  	v11 =	vld [tilespmem:s24+$0xFFFFFFC0]  }
0xbd: {  	v12 =	vld.idx.msk [tilespmem:v2+s30+$0x0], $0xffff  }
0xbe: {  	v13 =	vld.idx.msk [tilespmem:v3+s30+$0x0], $0xffff  }
0xbf: {  	v7 =	vld.idx.msk [tilespmem:v4+s30+$0x0], $0xffff  }
0xc0: {  	v6 =	vld.idx.msk [tilespmem:v5+s30+$0x0], $0xffff  }
0xc1: {  	v3 =	vld.idx.msk [tilespmem:v8+s30+$0x0], $0xffff  }
0xc2: {  	s6 =	simm.s32 $0x18240;
	v4 =	vld.idx.msk [tilespmem:v9+s30+$0x0], $0xffff  }
0xc3: {  	v2 =	vld.idx.msk [tilespmem:v10+s30+$0x0], $0xffff;
	[tilespmem:s6+$0x30] =	vst v12  }
0xc4: {  	s19 =	simm.s32 $0x0;
	s24 =	simm.s32 $0x42C0;
	v5 =	vld.idx.msk [tilespmem:v11+s30+$0x0], $0xffff;
	[tilespmem:s6+$0xFFFFFFD0] =	vst v13  }
.LBB2_17:
0xc5: {  	v8 =	vld [tilespmem:s24+$0x30];
	s19 =	sadd.s32 $0x80, s19;
	[tilespmem:s6+$0xFFFFFFE0] =	vst v7  }
0xc6: {  	v7 =	vld [tilespmem:s24+$0xFFFFFFD0];
	p1 =	slt.u32 s19, $0x3F80;
	[tilespmem:s6+$0xFFFFFFF0] =	vst v6  }
0xc7: {  	v6 =	vld [tilespmem:s24+$0xFFFFFFE0];
	[tilespmem:s6+$0x0] =	vst v3  }
0xc8: {  	v3 =	vld [tilespmem:s24+$0xFFFFFFF0];
	[tilespmem:s6+$0x10] =	vst v4  }
0xc9: {  	v4 =	vld [tilespmem:s24+$0x0];
	[tilespmem:s6+$0x20] =	vst v2  }
0xca: {  	v2 =	vld [tilespmem:s24+$0x10];
	[tilespmem:s6+$0xFFFFFFC0] =	vst v5  }
0xcb: {  	v5 =	vld [tilespmem:s24+$0x20]  }
0xcc: {  	v9 =	vld [tilespmem:s24+$0xFFFFFFC0]  }
0xcd: {  	v8 =	vld.idx.msk [tilespmem:v8+s30+$0x0], $0xffff  }
0xce: {  	v10 =	vld.idx.msk [tilespmem:v7+s30+$0x0], $0xffff  }
0xcf: {  	v7 =	vld.idx.msk [tilespmem:v6+s30+$0x0], $0xffff  }
.Ltmp10:
0xd0: {  	v6 =	vld.idx.msk [tilespmem:v3+s30+$0x0], $0xffff;
	(pc) =	sbr.rel @p1 .LBB2_17-.Ltmp10, $4  }
0xd1: {  	v3 =	vld.idx.msk [tilespmem:v4+s30+$0x0], $0xffff  }
0xd2: {  	s6 =	sadd.s32 $0x80, s6;
	v4 =	vld.idx.msk [tilespmem:v2+s30+$0x0], $0xffff  }
0xd3: {  	v2 =	vld.idx.msk [tilespmem:v5+s30+$0x0], $0xffff;
	[tilespmem:s6+$0x30] =	vst v8  }
0xd4: {  	s24 =	sadd.s32 $0x80, s24;
	v5 =	vld.idx.msk [tilespmem:v9+s30+$0x0], $0xffff;
	[tilespmem:s6+$0xFFFFFFD0] =	vst v10  }
0xd5: {  	[tilespmem:s6+$0xFFFFFFE0] =	vst v7  }
.Ltmp11:
0xd6: {  	[tilespmem:s6+$0xFFFFFFF0] =	vst v6;
	(pc) =	sbr.rel .LBB2_19-.Ltmp11, $4  }
0xd7: {  	[tilespmem:s6+$0x0] =	vst v3  }
0xd8: {  	s1 =	sshll.u32 s1, $0xE;
	[tilespmem:s6+$0x10] =	vst v4  }
0xd9: {  	s1 =	sand.u32 $0xFC0000, s1;
	[tilespmem:s6+$0x20] =	vst v2  }
0xda: {  	s1 =	sor.u32 s1, s15;
	[tilespmem:s6+$0xFFFFFFC0] =	vst v5  }
.LBB2_13:
0xdb: {  	p1 =	seq.s32 s0, $0x18  }
0xdc: {  	s6 =	sshll.u32 @!p1 s1, $0xB  }
0xdd: {  	s6 =	sand.u32 @!p1 $0x1E8000, s6  }
0xde: {  	s24 =	simm.s32 @!p1 $0x80;
	s6 =	sor.u32 @!p1 s17, s6  }
0xdf: {  	s11 =	simm.s32 @!p1 $0x400;
	s12 =	simm.s32 @!p1 $0x10200;
	s19 =	sadd.s32 @!p1 s3, s6  }
0xe0: {  	[tilespmem:s12], [sflag:$0x2] =	stream.strided.gather @!p1 [hbm4b:s19+s24], $0x4000, s11, s24, $0x38;
	[tilespmem:$0x1C400] =	vst v63  }
0xe1: {  	s6 =	sadd.s32 @!p1 s4, s6;
	s12 =	simm.s32 @!p1 $0x14200  }
0xe2: {  	[tilespmem:s12], [sflag:$0x2] =	stream.strided.gather @!p1 [hbm4b:s6+s24], $0x4000, s11, s24, $0x38;
	[tilespmem:$0x1C400] =	vst v63  }
0xe3: {  	_ =	swait.ge [sflag:s2], $0x4000  }
0xe4: {  	[sflag:s2] =	ssyncset.done $0x0  }
0xe5: {  	[sflag:s2] =	ssyncadd.s32 $0xFFFFC000  }
0xe6: {  	_ =	swait.ge [sflag:s2], $0x4000  }
0xe7: {  	p1 =	seq.s32 s0, $0x0;
	[sflag:s2] =	ssyncset.done $0x0  }
0xe8: {  	s6 =	simm.s32 @!p1 $0x3;
	[sflag:s2] =	ssyncadd.s32 $0xFFFFC000  }
0xe9: {  	_ =	swait.ge @!p1 [sflag:s6], $0x4000  }
0xea: {  	[sflag:s6] =	ssyncset.done @!p1 $0x0  }
0xeb: {  	s19 =	simm.s32 $0x4240;
	[sflag:s6] =	ssyncadd.s32 @!p1 $0xFFFFC000  }
0xec: {  	v2 =	vld [tilespmem:s19+$0x30]  }
0xed: {  	v3 =	vld [tilespmem:s19+$0xFFFFFFD0]  }
0xee: {  	v4 =	vld [tilespmem:s19+$0xFFFFFFE0]  }
0xef: {  	v5 =	vld [tilespmem:s19+$0xFFFFFFF0]  }
0xf0: {  	v6 =	vld [tilespmem:s19+$0x0]  }
0xf1: {  	v7 =	vld [tilespmem:s19+$0x10]  }
0xf2: {  	v8 =	vld [tilespmem:s19+$0x20]  }
0xf3: {  	v9 =	vld [tilespmem:s19+$0xFFFFFFC0]  }
0xf4: {  	v10 =	vld.idx.msk [tilespmem:v2+s22+$0x0], $0xffff  }
0xf5: {  	v11 =	vld.idx.msk [tilespmem:v3+s22+$0x0], $0xffff  }
0xf6: {  	v4 =	vld.idx.msk [tilespmem:v4+s22+$0x0], $0xffff  }
0xf7: {  	p6 =	seq.s32 s1, $0x0;
	v2 =	vld.idx.msk [tilespmem:v5+s22+$0x0], $0xffff  }
0xf8: {  	p1 =	por !p0, !p6;
	v3 =	vld.idx.msk [tilespmem:v6+s22+$0x0], $0xffff  }
0xf9: {  	s11 =	simm.s32 $0x1;
	s6 =	simm.s32 $0x18240;
	p1 =	por !p1, !p1;
	v5 =	vld.idx.msk [tilespmem:v7+s22+$0x0], $0xffff  }
0xfa: {  	s24 =	sshrl.u32 s1, $0x4;
	s11 =	simm.s32 @!p1 $0x0;
	v6 =	vld.idx.msk [tilespmem:v8+s22+$0x0], $0xffff;
	[tilespmem:s6+$0x30] =	vst v10  }
0xfb: {  	s19 =	simm.s32 $0x0;
	s1 =	ssub.s32 s24, s11;
	s24 =	simm.s32 $0x42C0;
	v7 =	vld.idx.msk [tilespmem:v9+s22+$0x0], $0xffff;
	[tilespmem:s6+$0xFFFFFFD0] =	vst v11  }
.LBB2_14:
0xfc: {  	v8 =	vld [tilespmem:s24+$0x30];
	s19 =	sadd.s32 $0x80, s19;
	[tilespmem:s6+$0xFFFFFFE0] =	vst v4  }
0xfd: {  	v4 =	vld [tilespmem:s24+$0xFFFFFFD0];
	p1 =	slt.u32 s19, $0x3F80;
	[tilespmem:s6+$0xFFFFFFF0] =	vst v2  }
0xfe: {  	v2 =	vld [tilespmem:s24+$0xFFFFFFE0];
	[tilespmem:s6+$0x0] =	vst v3  }
0xff: {  	v3 =	vld [tilespmem:s24+$0xFFFFFFF0];
	[tilespmem:s6+$0x10] =	vst v5  }
0x100: {  	v5 =	vld [tilespmem:s24+$0x0];
	[tilespmem:s6+$0x20] =	vst v6  }
0x101: {  	v6 =	vld [tilespmem:s24+$0x10];
	[tilespmem:s6+$0xFFFFFFC0] =	vst v7  }
0x102: {  	v7 =	vld [tilespmem:s24+$0x20]  }
0x103: {  	v9 =	vld [tilespmem:s24+$0xFFFFFFC0]  }
0x104: {  	v8 =	vld.idx.msk [tilespmem:v8+s22+$0x0], $0xffff  }
0x105: {  	v10 =	vld.idx.msk [tilespmem:v4+s22+$0x0], $0xffff  }
0x106: {  	v4 =	vld.idx.msk [tilespmem:v2+s22+$0x0], $0xffff  }
.Ltmp12:
0x107: {  	v2 =	vld.idx.msk [tilespmem:v3+s22+$0x0], $0xffff;
	(pc) =	sbr.rel @p1 .LBB2_14-.Ltmp12, $4  }
0x108: {  	v3 =	vld.idx.msk [tilespmem:v5+s22+$0x0], $0xffff  }
0x109: {  	s6 =	sadd.s32 $0x80, s6;
	v5 =	vld.idx.msk [tilespmem:v6+s22+$0x0], $0xffff  }
0x10a: {  	v6 =	vld.idx.msk [tilespmem:v7+s22+$0x0], $0xffff;
	[tilespmem:s6+$0x30] =	vst v8  }
0x10b: {  	s24 =	sadd.s32 $0x80, s24;
	v7 =	vld.idx.msk [tilespmem:v9+s22+$0x0], $0xffff;
	[tilespmem:s6+$0xFFFFFFD0] =	vst v10  }
0x10c: {  	[tilespmem:s6+$0xFFFFFFE0] =	vst v4  }
.Ltmp13:
0x10d: {  	[tilespmem:s6+$0xFFFFFFF0] =	vst v2;
	(pc) =	sbr.rel .LBB2_19-.Ltmp13, $4  }
0x10e: {  	[tilespmem:s6+$0x0] =	vst v3  }
0x10f: {  	[tilespmem:s6+$0x10] =	vst v5  }
0x110: {  	s1 =	sshll.u32 s1, $0x12;
	[tilespmem:s6+$0x20] =	vst v6  }
0x111: {  	s1 =	sor.u32 s15, s1;
	[tilespmem:s6+$0xFFFFFFC0] =	vst v7  }
.LBB2_21:
0x112: {  	_ =	sfence.sel $0x180000  }
0x113: {  	[bflag:$0x0] =	sbarrier.arrive $0xFFFF  }
0x114: {  	_ =	strace $0x90000047  }
0x115: {  	s0 =	stileid.u32;
	[bflag:$0x2] =	sbarrier.arrive $0xFFFF  }
0x116: {  	p0 =	sne.s32 s0, $0x0;
	s0 =	rddreg [dreg:$0x8]  }
0x117: {  	s0 =	sadd.s32 @!p0 $0x100000, s0  }
0x118: {  	[sflag:s0] =	ssyncadd.tile.s32 @!p0 $0x1;
	_ =	shalt  }
.Lfunc_end2:
_tile_overlayer_lowered:
.L_overlay_start_2:
0x119: {  	(tag) =	ssettag $0x2  }
0x11a: {  	s0 =	rddreg [dreg:$0x0];
	s2 =	stileid.u32  }
0x11b: {  	s1 =	rddreg [dreg:$0x1];
	p0 =	sne.s32 s2, $0x0  }
0x11c: {  	s3 =	rddreg [dreg:$0x2];
	[bflag:$0x3] =	sbarrier.arrive $0xFFFF;
	s2 =	simm.s32 @!p0 $0x1C04  }
0x11d: {  	[timem:s3], [sflag:s2] =	dma.local @!p0 [hbm:s0], s1  }
0x11e: {  	s0 =	simm.s32 @!p0 $0x4  }
0x11f: {  	_ =	swait.ge @!p0 [sflag:s0], s1  }
0x120: {  	s1 =	ssub.s32 @!p0 $0x0, s1;
	[sflag:s0] =	ssyncset.done @!p0 $0x0  }
0x121: {  	[sflag:s0] =	ssyncadd.s32 @!p0 s1  }
0x122: {  	[bflag:$0x3] =	sbarrier.arrive $0xFFFF  }
0x123: {  	_ =	shalt  }

</sc_bundles>
